<compile_context>
chip_gen: v7x
topology: tpu7x:2x2x1
jax: 0.10.2.dev20260603
libtpu: 0.0.44.dev20260713+nightly
codegen_flags: <defaults>
</compile_context>

<pallas_src>
import functools

import jax
import jax.numpy as jnp
from jax import lax
from jax.experimental import pallas as pl
from jax.experimental.pallas import tpu as pltpu
from jax.experimental.pallas import tpu_sc as plsc

EMBED = 64
HISTP = 64
HPAD = 56
RING = 8
DEPTH = 6
NC = 2
NS = 16
NW = NC * NS


@functools.lru_cache(maxsize=None)
def _make_gather(bsz: int, hist: int):
    b_per_w = bsz // NW
    n_groups = b_per_w // RING
    assert b_per_w * NW == bsz and n_groups * RING == b_per_w
    assert hist <= HISTP and 2 * hist <= 128
    mesh = plsc.VectorSubcoreMesh(core_axis_name="c", subcore_axis_name="s")

    @functools.partial(
        pl.kernel,
        mesh=mesh,
        compiler_params=pltpu.CompilerParams(use_tc_tiling_on_sc=False),
        out_type=jax.ShapeDtypeStruct((bsz, HISTP, EMBED), jnp.float32),
        scratch_types=(
            [pltpu.VMEM((b_per_w // 2, 128), jnp.int32)]
            + [pltpu.VMEM((HPAD, EMBED), jnp.float32) for _ in range(RING)]
            + [pltpu.SemaphoreType.DMA for _ in range(2 * RING)]
        ),
    )
    def gather(table_hbm, idx_hbm, out_hbm, idx_v, *bufs_and_sems):
        rows = bufs_and_sems[:RING]
        gsem = bufs_and_sems[RING : 2 * RING]
        wsem = bufs_and_sems[2 * RING :]
        wid = lax.axis_index("s") * NC + lax.axis_index("c")
        base = wid * b_per_w
        pltpu.sync_copy(idx_hbm.at[pl.ds(wid * (b_per_w // 2), b_per_w // 2)], idx_v)

        def gather_copy(b, bb):
            idx_list = idx_v.at[bb // 2, pl.ds((bb % 2) * HISTP, HPAD)]
            return pltpu.make_async_copy(
                table_hbm.at[idx_list], rows[b], gsem[b]
            )

        def write_copy(b, bb):
            return pltpu.make_async_copy(
                rows[b], out_hbm.at[base + bb, pl.ds(0, HPAD)], wsem[b]
            )

        for b in range(DEPTH):
            gather_copy(b, b).start()

        def body(g, carry):
            for b in range(RING):
                bb = g * RING + b
                gather_copy(b, bb).wait()
                write_copy(b, bb).start()
                bg = (b + DEPTH) % RING
                nxt = bb + DEPTH

                @pl.when(nxt < b_per_w)
                def _():
                    @pl.when(nxt >= RING)
                    def _():
                        write_copy(bg, nxt - RING).wait()

                    gather_copy(bg, nxt).start()

            return carry

        lax.fori_loop(0, n_groups, body, 0)
        for b in range(RING):
            write_copy(b, b_per_w - RING + b).wait()

    return gather


def kernel(table, type_index):
    bsz, hist = type_index.shape
    idx = type_index.astype(jnp.int32)
    idx = jnp.pad(idx, ((0, 0), (0, HISTP - hist)), constant_values=table.shape[0] - 1)
    idx = idx.reshape(bsz // 2, 2 * HISTP)
    out = _make_gather(bsz, hist)(table, idx)
    return out[:, :hist, :]

# --- scband reference (transcript-rebuilt; emitter-appended) ---
"""Pipeline reference for scband-knowledge-embedding-memory-58660663329071 (READ-ONLY COPY).

The authoritative reference and input builder live on the scoring server;
editing this copy changes nothing except your own understanding.
"""

import jax, jax.numpy as jnp
import numpy as np

VOCAB = 100000
EMBED = 64
BATCH = 4096
HIST = 50


def setup_inputs(seed: int = 0) -> dict:
    key = jax.random.key(seed)
    k1, k2 = jax.random.split(key)
    # Entity embedding table of size [vocab_size+1, embed_size]; last row is all zeros (padding).
    table = jax.random.normal(k1, (VOCAB + 1, EMBED), dtype=jnp.float32)
    table = table.at[-1].set(0.0)
    type_index = jax.random.randint(k2, (BATCH, HIST), 0, VOCAB, dtype=jnp.int64)
    return {"table": table, "type_index": type_index}


def reference(table, type_index):
    # KnowledgeEmbedding_memory.lookup_emb: entity_vec = embedding_file(type_index)
    # Pure embedding gather: table[idx] -> [B, L, embed_size]
    entity_vec = jnp.take(table, type_index, axis=0)
    return entity_vec

if __name__ == "__main__":
    import jax
    _d = setup_inputs()
    print(jax.jit(kernel)(*tuple(_d.values())))

</pallas_src>

<mosaic_0001>
#map = affine_map<(d0, d1) -> (0, 0)>
#map1 = affine_map<(d0, d1) -> (0, 0, 0)>
module attributes {stable_mosaic.version = 14 : i64} {
  func.func @gather(%arg0: i32, %arg1: i32, %arg2: memref<100001x64xf32, #tpu.memory_space<hbm>>, %arg3: memref<2048x128xi32, #tpu.memory_space<hbm>>, %arg4: memref<4096x64x64xf32, #tpu.memory_space<hbm>>, %arg5: memref<64x128xi32, #tpu.memory_space<vmem>>, %arg6: memref<56x64xf32, #tpu.memory_space<vmem>>, %arg7: memref<56x64xf32, #tpu.memory_space<vmem>>, %arg8: memref<56x64xf32, #tpu.memory_space<vmem>>, %arg9: memref<56x64xf32, #tpu.memory_space<vmem>>, %arg10: memref<56x64xf32, #tpu.memory_space<vmem>>, %arg11: memref<56x64xf32, #tpu.memory_space<vmem>>, %arg12: memref<56x64xf32, #tpu.memory_space<vmem>>, %arg13: memref<56x64xf32, #tpu.memory_space<vmem>>, %arg14: memref<!tpu.dma_semaphore, #tpu.memory_space<semaphore_mem>>, %arg15: memref<!tpu.dma_semaphore, #tpu.memory_space<semaphore_mem>>, %arg16: memref<!tpu.dma_semaphore, #tpu.memory_space<semaphore_mem>>, %arg17: memref<!tpu.dma_semaphore, #tpu.memory_space<semaphore_mem>>, %arg18: memref<!tpu.dma_semaphore, #tpu.memory_space<semaphore_mem>>, %arg19: memref<!tpu.dma_semaphore, #tpu.memory_space<semaphore_mem>>, %arg20: memref<!tpu.dma_semaphore, #tpu.memory_space<semaphore_mem>>, %arg21: memref<!tpu.dma_semaphore, #tpu.memory_space<semaphore_mem>>, %arg22: memref<!tpu.dma_semaphore, #tpu.memory_space<semaphore_mem>>, %arg23: memref<!tpu.dma_semaphore, #tpu.memory_space<semaphore_mem>>, %arg24: memref<!tpu.dma_semaphore, #tpu.memory_space<semaphore_mem>>, %arg25: memref<!tpu.dma_semaphore, #tpu.memory_space<semaphore_mem>>, %arg26: memref<!tpu.dma_semaphore, #tpu.memory_space<semaphore_mem>>, %arg27: memref<!tpu.dma_semaphore, #tpu.memory_space<semaphore_mem>>, %arg28: memref<!tpu.dma_semaphore, #tpu.memory_space<semaphore_mem>>, %arg29: memref<!tpu.dma_semaphore, #tpu.memory_space<semaphore_mem>>) attributes {dimension_semantics = [#tpu.dimension_semantics<core_parallel>, #tpu.dimension_semantics<subcore_parallel>], iteration_bounds = array<i64: 2, 16>, scalar_prefetch = 0 : i64, scratch_operands = 25 : i64, tpu.core_type = #tpu.core_type<sc_vector_subcore>, window_params = [{transform_indices = #map}, {transform_indices = #map}, {transform_indices = #map1}]} {
    %mul3A = arith.constant 2 : i32
    %mul3A_0 = arith.muli %arg1, %mul3A : i32
    %add3A = arith.addi %mul3A_0, %arg0 : i32
    %mul3A_1 = arith.constant 128 : i32
    %mul3A_2 = arith.muli %add3A, %mul3A_1 : i32
    %mul3A_3 = arith.constant 64 : i32
    %mul3A_4 = arith.muli %add3A, %mul3A_3 : i32
    "tpu.region"() ({
      %run_scoped3A = tpu.sem_alloc : memref<!tpu.dma_semaphore, #tpu.memory_space<semaphore_mem>>
      %dma_start3A_130 = arith.constant 0 : i32
      %dma_start3A_131 = tpu.memref_slice %arg3[%mul3A_4, %dma_start3A_130] : memref<2048x128xi32, #tpu.memory_space<hbm>> -> memref<64x128xi32, #tpu.memory_space<hbm>>
      %dma_start3A_132 = arith.constant 0 : i32
      %dma_start3A_133 = tpu.memref_slice %arg3[%mul3A_4, %dma_start3A_132] : memref<2048x128xi32, #tpu.memory_space<hbm>> -> memref<64x128xi32, #tpu.memory_space<hbm>>
      tpu.enqueue_dma source(%dma_start3A_133 : memref<64x128xi32, #tpu.memory_space<hbm>>) target(%arg5 : memref<64x128xi32, #tpu.memory_space<vmem>>) target_semaphore(%run_scoped3A : memref<!tpu.dma_semaphore, #tpu.memory_space<semaphore_mem>>)
      %dma_wait3A_134 = arith.constant 0 : i32
      %dma_wait3A_135 = tpu.memref_slice %arg3[%mul3A_4, %dma_wait3A_134] : memref<2048x128xi32, #tpu.memory_space<hbm>> -> memref<64x128xi32, #tpu.memory_space<hbm>>
      %dma_wait3A_136 = arith.constant 0 : i32
      %dma_wait3A_137 = tpu.memref_slice %arg3[%mul3A_4, %dma_wait3A_136] : memref<2048x128xi32, #tpu.memory_space<hbm>> -> memref<64x128xi32, #tpu.memory_space<hbm>>
      tpu.wait_dma2 semaphore(%run_scoped3A : memref<!tpu.dma_semaphore, #tpu.memory_space<semaphore_mem>>) src(%dma_wait3A_137 : memref<64x128xi32, #tpu.memory_space<hbm>>) dst(%arg5 : memref<64x128xi32, #tpu.memory_space<vmem>>)
      tpu.yield
    }) : () -> ()
    %dma_start3A = arith.constant 0 : i32
    %dma_start3A_5 = arith.constant 0 : i32
    %dma_start3A_6 = tpu.memref_slice %arg5[%dma_start3A, %dma_start3A_5] : memref<64x128xi32, #tpu.memory_space<vmem>> -> memref<1x56xi32, #tpu.memory_space<vmem>>
    %dma_start3A_7 = tpu.memref_squeeze %dma_start3A_6 : memref<1x56xi32, #tpu.memory_space<vmem>> -> memref<56xi32, #tpu.memory_space<vmem>>
    %dma_start3A_8 = arith.constant 0 : i32
    %dma_start3A_9 = arith.constant 0 : i32
    %dma_start3A_10 = tpu.memref_slice %arg2[%dma_start3A_8, %dma_start3A_9] : memref<100001x64xf32, #tpu.memory_space<hbm>> -> memref<100001x64xf32, #tpu.memory_space<hbm>>
    tpu.enqueue_indirect_dma source(%dma_start3A_10 : memref<100001x64xf32, #tpu.memory_space<hbm>>) target(%arg6 : memref<56x64xf32, #tpu.memory_space<vmem>>) offsets(%dma_start3A_7 : memref<56xi32, #tpu.memory_space<vmem>>) semaphore(%arg14 : memref<!tpu.dma_semaphore, #tpu.memory_space<semaphore_mem>>)
    %dma_start3A_11 = arith.constant 0 : i32
    %dma_start3A_12 = arith.constant 64 : i32
    %dma_start3A_13 = tpu.memref_slice %arg5[%dma_start3A_11, %dma_start3A_12] : memref<64x128xi32, #tpu.memory_space<vmem>> -> memref<1x56xi32, #tpu.memory_space<vmem>>
    %dma_start3A_14 = tpu.memref_squeeze %dma_start3A_13 : memref<1x56xi32, #tpu.memory_space<vmem>> -> memref<56xi32, #tpu.memory_space<vmem>>
    %dma_start3A_15 = arith.constant 0 : i32
    %dma_start3A_16 = arith.constant 0 : i32
    %dma_start3A_17 = tpu.memref_slice %arg2[%dma_start3A_15, %dma_start3A_16] : memref<100001x64xf32, #tpu.memory_space<hbm>> -> memref<100001x64xf32, #tpu.memory_space<hbm>>
    tpu.enqueue_indirect_dma source(%dma_start3A_17 : memref<100001x64xf32, #tpu.memory_space<hbm>>) target(%arg7 : memref<56x64xf32, #tpu.memory_space<vmem>>) offsets(%dma_start3A_14 : memref<56xi32, #tpu.memory_space<vmem>>) semaphore(%arg15 : memref<!tpu.dma_semaphore, #tpu.memory_space<semaphore_mem>>)
    %dma_start3A_18 = arith.constant 1 : i32
    %dma_start3A_19 = arith.constant 0 : i32
    %dma_start3A_20 = tpu.memref_slice %arg5[%dma_start3A_18, %dma_start3A_19] : memref<64x128xi32, #tpu.memory_space<vmem>> -> memref<1x56xi32, #tpu.memory_space<vmem>>
    %dma_start3A_21 = tpu.memref_squeeze %dma_start3A_20 : memref<1x56xi32, #tpu.memory_space<vmem>> -> memref<56xi32, #tpu.memory_space<vmem>>
    %dma_start3A_22 = arith.constant 0 : i32
    %dma_start3A_23 = arith.constant 0 : i32
    %dma_start3A_24 = tpu.memref_slice %arg2[%dma_start3A_22, %dma_start3A_23] : memref<100001x64xf32, #tpu.memory_space<hbm>> -> memref<100001x64xf32, #tpu.memory_space<hbm>>
    tpu.enqueue_indirect_dma source(%dma_start3A_24 : memref<100001x64xf32, #tpu.memory_space<hbm>>) target(%arg8 : memref<56x64xf32, #tpu.memory_space<vmem>>) offsets(%dma_start3A_21 : memref<56xi32, #tpu.memory_space<vmem>>) semaphore(%arg16 : memref<!tpu.dma_semaphore, #tpu.memory_space<semaphore_mem>>)
    %dma_start3A_25 = arith.constant 1 : i32
    %dma_start3A_26 = arith.constant 64 : i32
    %dma_start3A_27 = tpu.memref_slice %arg5[%dma_start3A_25, %dma_start3A_26] : memref<64x128xi32, #tpu.memory_space<vmem>> -> memref<1x56xi32, #tpu.memory_space<vmem>>
    %dma_start3A_28 = tpu.memref_squeeze %dma_start3A_27 : memref<1x56xi32, #tpu.memory_space<vmem>> -> memref<56xi32, #tpu.memory_space<vmem>>
    %dma_start3A_29 = arith.constant 0 : i32
    %dma_start3A_30 = arith.constant 0 : i32
    %dma_start3A_31 = tpu.memref_slice %arg2[%dma_start3A_29, %dma_start3A_30] : memref<100001x64xf32, #tpu.memory_space<hbm>> -> memref<100001x64xf32, #tpu.memory_space<hbm>>
    tpu.enqueue_indirect_dma source(%dma_start3A_31 : memref<100001x64xf32, #tpu.memory_space<hbm>>) target(%arg9 : memref<56x64xf32, #tpu.memory_space<vmem>>) offsets(%dma_start3A_28 : memref<56xi32, #tpu.memory_space<vmem>>) semaphore(%arg17 : memref<!tpu.dma_semaphore, #tpu.memory_space<semaphore_mem>>)
    %dma_start3A_32 = arith.constant 2 : i32
    %dma_start3A_33 = arith.constant 0 : i32
    %dma_start3A_34 = tpu.memref_slice %arg5[%dma_start3A_32, %dma_start3A_33] : memref<64x128xi32, #tpu.memory_space<vmem>> -> memref<1x56xi32, #tpu.memory_space<vmem>>
    %dma_start3A_35 = tpu.memref_squeeze %dma_start3A_34 : memref<1x56xi32, #tpu.memory_space<vmem>> -> memref<56xi32, #tpu.memory_space<vmem>>
    %dma_start3A_36 = arith.constant 0 : i32
    %dma_start3A_37 = arith.constant 0 : i32
    %dma_start3A_38 = tpu.memref_slice %arg2[%dma_start3A_36, %dma_start3A_37] : memref<100001x64xf32, #tpu.memory_space<hbm>> -> memref<100001x64xf32, #tpu.memory_space<hbm>>
    tpu.enqueue_indirect_dma source(%dma_start3A_38 : memref<100001x64xf32, #tpu.memory_space<hbm>>) target(%arg10 : memref<56x64xf32, #tpu.memory_space<vmem>>) offsets(%dma_start3A_35 : memref<56xi32, #tpu.memory_space<vmem>>) semaphore(%arg18 : memref<!tpu.dma_semaphore, #tpu.memory_space<semaphore_mem>>)
    %dma_start3A_39 = arith.constant 2 : i32
    %dma_start3A_40 = arith.constant 64 : i32
    %dma_start3A_41 = tpu.memref_slice %arg5[%dma_start3A_39, %dma_start3A_40] : memref<64x128xi32, #tpu.memory_space<vmem>> -> memref<1x56xi32, #tpu.memory_space<vmem>>
    %dma_start3A_42 = tpu.memref_squeeze %dma_start3A_41 : memref<1x56xi32, #tpu.memory_space<vmem>> -> memref<56xi32, #tpu.memory_space<vmem>>
    %dma_start3A_43 = arith.constant 0 : i32
    %dma_start3A_44 = arith.constant 0 : i32
    %dma_start3A_45 = tpu.memref_slice %arg2[%dma_start3A_43, %dma_start3A_44] : memref<100001x64xf32, #tpu.memory_space<hbm>> -> memref<100001x64xf32, #tpu.memory_space<hbm>>
    tpu.enqueue_indirect_dma source(%dma_start3A_45 : memref<100001x64xf32, #tpu.memory_space<hbm>>) target(%arg11 : memref<56x64xf32, #tpu.memory_space<vmem>>) offsets(%dma_start3A_42 : memref<56xi32, #tpu.memory_space<vmem>>) semaphore(%arg19 : memref<!tpu.dma_semaphore, #tpu.memory_space<semaphore_mem>>)
    %scan3A = arith.constant 0 : i32
    %scan3A_46 = arith.constant 0 : i32
    %scan3A_47 = arith.constant 16 : i32
    %scan3A_48 = arith.addi %scan3A_46, %scan3A_47 : i32
    %scan3A_49 = arith.constant 1 : i32
    scf.for %scan3A_130 = %scan3A_46 to %scan3A_48 step %scan3A_49  : i32 {
      %mul3A_131 = arith.constant 8 : i32
      %mul3A_132 = arith.muli %scan3A_130, %mul3A_131 : i32
      %add3A_133 = arith.constant 0 : i32
      %add3A_134 = arith.addi %mul3A_132, %add3A_133 : i32
      %jit3A = arith.constant 2 : i32
      %div3A = arith.divsi %add3A_134, %jit3A : i32
      %sign3A = arith.constant 0 : i32
      %sign3A_135 = arith.cmpi sgt, %add3A_134, %sign3A : i32
      %sign3A_136 = arith.extui %sign3A_135 : i1 to i32
      %sign3A_137 = arith.constant 0 : i32
      %sign3A_138 = arith.cmpi slt, %add3A_134, %sign3A_137 : i32
      %sign3A_139 = arith.extui %sign3A_138 : i1 to i32
      %sign3A_140 = arith.subi %sign3A_136, %sign3A_139 : i32
      %sign3A_141 = arith.constant 0 : i32
      %sign3A_142 = arith.cmpi sgt, %jit3A, %sign3A_141 : i32
      %sign3A_143 = arith.extui %sign3A_142 : i1 to i32
      %sign3A_144 = arith.constant 0 : i32
      %sign3A_145 = arith.cmpi slt, %jit3A, %sign3A_144 : i32
      %sign3A_146 = arith.extui %sign3A_145 : i1 to i32
      %sign3A_147 = arith.subi %sign3A_143, %sign3A_146 : i32
      %ne3A = arith.cmpi ne, %sign3A_140, %sign3A_147 : i32
      %rem3A = arith.remsi %add3A_134, %jit3A : i32
      %ne3A_148 = arith.constant 0 : i32
      %ne3A_149 = arith.cmpi ne, %rem3A, %ne3A_148 : i32
      %and3A = arith.andi %ne3A, %ne3A_149 : i1
      %sub3A = arith.constant 1 : i32
      %sub3A_150 = arith.subi %div3A, %sub3A : i32
      %select_n3A = arith.select %and3A, %sub3A_150, %div3A : i32
      %jit3A_151 = arith.constant 2 : i32
      %eq3A = arith.constant 0 : i32
      %eq3A_152 = arith.cmpi eq, %jit3A_151, %eq3A : i32
      %jit3A_153 = arith.constant 1 : i32
      %select_n3A_154 = arith.select %eq3A_152, %jit3A_153, %jit3A_151 : i32
      %rem3A_155 = arith.remsi %add3A_134, %select_n3A_154 : i32
      %ne3A_156 = arith.constant 0 : i32
      %ne3A_157 = arith.cmpi ne, %rem3A_155, %ne3A_156 : i32
      %lt3A = arith.constant 0 : i32
      %lt3A_158 = arith.cmpi slt, %rem3A_155, %lt3A : i32
      %lt3A_159 = arith.constant 0 : i32
      %lt3A_160 = arith.cmpi slt, %select_n3A_154, %lt3A_159 : i32
      %ne3A_161 = arith.xori %lt3A_158, %lt3A_160 : i1
      %and3A_162 = arith.andi %ne3A_161, %ne3A_157 : i1
      %add3A_163 = arith.addi %rem3A_155, %select_n3A_154 : i32
      %select_n3A_164 = arith.select %and3A_162, %add3A_163, %rem3A_155 : i32
      %mul3A_165 = arith.constant 64 : i32
      %mul3A_166 = arith.muli %select_n3A_164, %mul3A_165 : i32
      %dma_wait3A_167 = tpu.memref_slice %arg5[%select_n3A, %mul3A_166] : memref<64x128xi32, #tpu.memory_space<vmem>> -> memref<1x56xi32, #tpu.memory_space<vmem>>
      %dma_wait3A_168 = tpu.memref_squeeze %dma_wait3A_167 : memref<1x56xi32, #tpu.memory_space<vmem>> -> memref<56xi32, #tpu.memory_space<vmem>>
      %dma_wait3A_169 = arith.constant 0 : i32
      %dma_wait3A_170 = arith.constant 0 : i32
      %dma_wait3A_171 = tpu.memref_slice %arg2[%dma_wait3A_169, %dma_wait3A_170] : memref<100001x64xf32, #tpu.memory_space<hbm>> -> memref<100001x64xf32, #tpu.memory_space<hbm>>
      tpu.wait_indirect_dma semaphore(%arg14 : memref<!tpu.dma_semaphore, #tpu.memory_space<semaphore_mem>>) src(%dma_wait3A_171 : memref<100001x64xf32, #tpu.memory_space<hbm>>) dst(%arg6 : memref<56x64xf32, #tpu.memory_space<vmem>>)
      %add3A_172 = arith.addi %mul3A_2, %add3A_134 : i32
      %dma_start3A_173 = arith.constant 0 : i32
      %dma_start3A_174 = arith.constant 0 : i32
      %dma_start3A_175 = tpu.memref_slice %arg4[%add3A_172, %dma_start3A_173, %dma_start3A_174] : memref<4096x64x64xf32, #tpu.memory_space<hbm>> -> memref<1x56x64xf32, #tpu.memory_space<hbm>>
      %dma_start3A_176 = tpu.memref_squeeze %dma_start3A_175 : memref<1x56x64xf32, #tpu.memory_space<hbm>> -> memref<56x64xf32, #tpu.memory_space<hbm>>
      %dma_start3A_177 = arith.constant 0 : i32
      %dma_start3A_178 = arith.constant 0 : i32
      %dma_start3A_179 = tpu.memref_slice %arg4[%add3A_172, %dma_start3A_177, %dma_start3A_178] : memref<4096x64x64xf32, #tpu.memory_space<hbm>> -> memref<1x56x64xf32, #tpu.memory_space<hbm>>
      %dma_start3A_180 = tpu.memref_squeeze %dma_start3A_179 : memref<1x56x64xf32, #tpu.memory_space<hbm>> -> memref<56x64xf32, #tpu.memory_space<hbm>>
      tpu.enqueue_dma source(%arg6 : memref<56x64xf32, #tpu.memory_space<vmem>>) target(%dma_start3A_180 : memref<56x64xf32, #tpu.memory_space<hbm>>) target_semaphore(%arg22 : memref<!tpu.dma_semaphore, #tpu.memory_space<semaphore_mem>>)
      %add3A_181 = arith.constant 6 : i32
      %add3A_182 = arith.addi %add3A_134, %add3A_181 : i32
      %lt3A_183 = arith.constant 128 : i32
      %lt3A_184 = arith.cmpi slt, %add3A_182, %lt3A_183 : i32
      %convert_element_type3A = arith.extui %lt3A_184 : i1 to i32
      %cond3A = arith.constant 0 : i32
      %cond3A_185 = arith.cmpi ne, %convert_element_type3A, %cond3A : i32
      scf.if %cond3A_185 {
        %ge3A = arith.constant 8 : i32
        %ge3A_655 = arith.cmpi sge, %add3A_182, %ge3A : i32
        %convert_element_type3A_656 = arith.extui %ge3A_655 : i1 to i32
        %cond3A_657 = arith.constant 0 : i32
        %cond3A_658 = arith.cmpi ne, %convert_element_type3A_656, %cond3A_657 : i32
        scf.if %cond3A_658 {
          %sub3A_706 = arith.constant 8 : i32
          %sub3A_707 = arith.subi %add3A_182, %sub3A_706 : i32
          %add3A_708 = arith.addi %mul3A_2, %sub3A_707 : i32
          %dma_wait3A_709 = arith.constant 0 : i32
          %dma_wait3A_710 = arith.constant 0 : i32
          %dma_wait3A_711 = tpu.memref_slice %arg4[%add3A_708, %dma_wait3A_709, %dma_wait3A_710] : memref<4096x64x64xf32, #tpu.memory_space<hbm>> -> memref<1x56x64xf32, #tpu.memory_space<hbm>>
          %dma_wait3A_712 = tpu.memref_squeeze %dma_wait3A_711 : memref<1x56x64xf32, #tpu.memory_space<hbm>> -> memref<56x64xf32, #tpu.memory_space<hbm>>
          %dma_wait3A_713 = arith.constant 0 : i32
          %dma_wait3A_714 = arith.constant 0 : i32
          %dma_wait3A_715 = tpu.memref_slice %arg4[%add3A_708, %dma_wait3A_713, %dma_wait3A_714] : memref<4096x64x64xf32, #tpu.memory_space<hbm>> -> memref<1x56x64xf32, #tpu.memory_space<hbm>>
          %dma_wait3A_716 = tpu.memref_squeeze %dma_wait3A_715 : memref<1x56x64xf32, #tpu.memory_space<hbm>> -> memref<56x64xf32, #tpu.memory_space<hbm>>
          tpu.wait_dma2 semaphore(%arg28 : memref<!tpu.dma_semaphore, #tpu.memory_space<semaphore_mem>>) src(%arg12 : memref<56x64xf32, #tpu.memory_space<vmem>>) dst(%dma_wait3A_716 : memref<56x64xf32, #tpu.memory_space<hbm>>)
        } else {
        }
        %jit3A_659 = arith.constant 2 : i32
        %div3A_660 = arith.divsi %add3A_182, %jit3A_659 : i32
        %sign3A_661 = arith.constant 0 : i32
        %sign3A_662 = arith.cmpi sgt, %add3A_182, %sign3A_661 : i32
        %sign3A_663 = arith.extui %sign3A_662 : i1 to i32
        %sign3A_664 = arith.constant 0 : i32
        %sign3A_665 = arith.cmpi slt, %add3A_182, %sign3A_664 : i32
        %sign3A_666 = arith.extui %sign3A_665 : i1 to i32
        %sign3A_667 = arith.subi %sign3A_663, %sign3A_666 : i32
        %sign3A_668 = arith.constant 0 : i32
        %sign3A_669 = arith.cmpi sgt, %jit3A_659, %sign3A_668 : i32
        %sign3A_670 = arith.extui %sign3A_669 : i1 to i32
        %sign3A_671 = arith.constant 0 : i32
        %sign3A_672 = arith.cmpi slt, %jit3A_659, %sign3A_671 : i32
        %sign3A_673 = arith.extui %sign3A_672 : i1 to i32
        %sign3A_674 = arith.subi %sign3A_670, %sign3A_673 : i32
        %ne3A_675 = arith.cmpi ne, %sign3A_667, %sign3A_674 : i32
        %rem3A_676 = arith.remsi %add3A_182, %jit3A_659 : i32
        %ne3A_677 = arith.constant 0 : i32
        %ne3A_678 = arith.cmpi ne, %rem3A_676, %ne3A_677 : i32
        %and3A_679 = arith.andi %ne3A_675, %ne3A_678 : i1
        %sub3A_680 = arith.constant 1 : i32
        %sub3A_681 = arith.subi %div3A_660, %sub3A_680 : i32
        %select_n3A_682 = arith.select %and3A_679, %sub3A_681, %div3A_660 : i32
        %jit3A_683 = arith.constant 2 : i32
        %eq3A_684 = arith.constant 0 : i32
        %eq3A_685 = arith.cmpi eq, %jit3A_683, %eq3A_684 : i32
        %jit3A_686 = arith.constant 1 : i32
        %select_n3A_687 = arith.select %eq3A_685, %jit3A_686, %jit3A_683 : i32
        %rem3A_688 = arith.remsi %add3A_182, %select_n3A_687 : i32
        %ne3A_689 = arith.constant 0 : i32
        %ne3A_690 = arith.cmpi ne, %rem3A_688, %ne3A_689 : i32
        %lt3A_691 = arith.constant 0 : i32
        %lt3A_692 = arith.cmpi slt, %rem3A_688, %lt3A_691 : i32
        %lt3A_693 = arith.constant 0 : i32
        %lt3A_694 = arith.cmpi slt, %select_n3A_687, %lt3A_693 : i32
        %ne3A_695 = arith.xori %lt3A_692, %lt3A_694 : i1
        %and3A_696 = arith.andi %ne3A_695, %ne3A_690 : i1
        %add3A_697 = arith.addi %rem3A_688, %select_n3A_687 : i32
        %select_n3A_698 = arith.select %and3A_696, %add3A_697, %rem3A_688 : i32
        %mul3A_699 = arith.constant 64 : i32
        %mul3A_700 = arith.muli %select_n3A_698, %mul3A_699 : i32
        %dma_start3A_701 = tpu.memref_slice %arg5[%select_n3A_682, %mul3A_700] : memref<64x128xi32, #tpu.memory_space<vmem>> -> memref<1x56xi32, #tpu.memory_space<vmem>>
        %dma_start3A_702 = tpu.memref_squeeze %dma_start3A_701 : memref<1x56xi32, #tpu.memory_space<vmem>> -> memref<56xi32, #tpu.memory_space<vmem>>
        %dma_start3A_703 = arith.constant 0 : i32
        %dma_start3A_704 = arith.constant 0 : i32
        %dma_start3A_705 = tpu.memref_slice %arg2[%dma_start3A_703, %dma_start3A_704] : memref<100001x64xf32, #tpu.memory_space<hbm>> -> memref<100001x64xf32, #tpu.memory_space<hbm>>
        tpu.enqueue_indirect_dma source(%dma_start3A_705 : memref<100001x64xf32, #tpu.memory_space<hbm>>) target(%arg12 : memref<56x64xf32, #tpu.memory_space<vmem>>) offsets(%dma_start3A_702 : memref<56xi32, #tpu.memory_space<vmem>>) semaphore(%arg20 : memref<!tpu.dma_semaphore, #tpu.memory_space<semaphore_mem>>)
      } else {
      }
      %mul3A_186 = arith.constant 8 : i32
      %mul3A_187 = arith.muli %scan3A_130, %mul3A_186 : i32
      %add3A_188 = arith.constant 1 : i32
      %add3A_189 = arith.addi %mul3A_187, %add3A_188 : i32
      %jit3A_190 = arith.constant 2 : i32
      %div3A_191 = arith.divsi %add3A_189, %jit3A_190 : i32
      %sign3A_192 = arith.constant 0 : i32
      %sign3A_193 = arith.cmpi sgt, %add3A_189, %sign3A_192 : i32
      %sign3A_194 = arith.extui %sign3A_193 : i1 to i32
      %sign3A_195 = arith.constant 0 : i32
      %sign3A_196 = arith.cmpi slt, %add3A_189, %sign3A_195 : i32
      %sign3A_197 = arith.extui %sign3A_196 : i1 to i32
      %sign3A_198 = arith.subi %sign3A_194, %sign3A_197 : i32
      %sign3A_199 = arith.constant 0 : i32
      %sign3A_200 = arith.cmpi sgt, %jit3A_190, %sign3A_199 : i32
      %sign3A_201 = arith.extui %sign3A_200 : i1 to i32
      %sign3A_202 = arith.constant 0 : i32
      %sign3A_203 = arith.cmpi slt, %jit3A_190, %sign3A_202 : i32
      %sign3A_204 = arith.extui %sign3A_203 : i1 to i32
      %sign3A_205 = arith.subi %sign3A_201, %sign3A_204 : i32
      %ne3A_206 = arith.cmpi ne, %sign3A_198, %sign3A_205 : i32
      %rem3A_207 = arith.remsi %add3A_189, %jit3A_190 : i32
      %ne3A_208 = arith.constant 0 : i32
      %ne3A_209 = arith.cmpi ne, %rem3A_207, %ne3A_208 : i32
      %and3A_210 = arith.andi %ne3A_206, %ne3A_209 : i1
      %sub3A_211 = arith.constant 1 : i32
      %sub3A_212 = arith.subi %div3A_191, %sub3A_211 : i32
      %select_n3A_213 = arith.select %and3A_210, %sub3A_212, %div3A_191 : i32
      %jit3A_214 = arith.constant 2 : i32
      %eq3A_215 = arith.constant 0 : i32
      %eq3A_216 = arith.cmpi eq, %jit3A_214, %eq3A_215 : i32
      %jit3A_217 = arith.constant 1 : i32
      %select_n3A_218 = arith.select %eq3A_216, %jit3A_217, %jit3A_214 : i32
      %rem3A_219 = arith.remsi %add3A_189, %select_n3A_218 : i32
      %ne3A_220 = arith.constant 0 : i32
      %ne3A_221 = arith.cmpi ne, %rem3A_219, %ne3A_220 : i32
      %lt3A_222 = arith.constant 0 : i32
      %lt3A_223 = arith.cmpi slt, %rem3A_219, %lt3A_222 : i32
      %lt3A_224 = arith.constant 0 : i32
      %lt3A_225 = arith.cmpi slt, %select_n3A_218, %lt3A_224 : i32
      %ne3A_226 = arith.xori %lt3A_223, %lt3A_225 : i1
      %and3A_227 = arith.andi %ne3A_226, %ne3A_221 : i1
      %add3A_228 = arith.addi %rem3A_219, %select_n3A_218 : i32
      %select_n3A_229 = arith.select %and3A_227, %add3A_228, %rem3A_219 : i32
      %mul3A_230 = arith.constant 64 : i32
      %mul3A_231 = arith.muli %select_n3A_229, %mul3A_230 : i32
      %dma_wait3A_232 = tpu.memref_slice %arg5[%select_n3A_213, %mul3A_231] : memref<64x128xi32, #tpu.memory_space<vmem>> -> memref<1x56xi32, #tpu.memory_space<vmem>>
      %dma_wait3A_233 = tpu.memref_squeeze %dma_wait3A_232 : memref<1x56xi32, #tpu.memory_space<vmem>> -> memref<56xi32, #tpu.memory_space<vmem>>
      %dma_wait3A_234 = arith.constant 0 : i32
      %dma_wait3A_235 = arith.constant 0 : i32
      %dma_wait3A_236 = tpu.memref_slice %arg2[%dma_wait3A_234, %dma_wait3A_235] : memref<100001x64xf32, #tpu.memory_space<hbm>> -> memref<100001x64xf32, #tpu.memory_space<hbm>>
      tpu.wait_indirect_dma semaphore(%arg15 : memref<!tpu.dma_semaphore, #tpu.memory_space<semaphore_mem>>) src(%dma_wait3A_236 : memref<100001x64xf32, #tpu.memory_space<hbm>>) dst(%arg7 : memref<56x64xf32, #tpu.memory_space<vmem>>)
      %add3A_237 = arith.addi %mul3A_2, %add3A_189 : i32
      %dma_start3A_238 = arith.constant 0 : i32
      %dma_start3A_239 = arith.constant 0 : i32
      %dma_start3A_240 = tpu.memref_slice %arg4[%add3A_237, %dma_start3A_238, %dma_start3A_239] : memref<4096x64x64xf32, #tpu.memory_space<hbm>> -> memref<1x56x64xf32, #tpu.memory_space<hbm>>
      %dma_start3A_241 = tpu.memref_squeeze %dma_start3A_240 : memref<1x56x64xf32, #tpu.memory_space<hbm>> -> memref<56x64xf32, #tpu.memory_space<hbm>>
      %dma_start3A_242 = arith.constant 0 : i32
      %dma_start3A_243 = arith.constant 0 : i32
      %dma_start3A_244 = tpu.memref_slice %arg4[%add3A_237, %dma_start3A_242, %dma_start3A_243] : memref<4096x64x64xf32, #tpu.memory_space<hbm>> -> memref<1x56x64xf32, #tpu.memory_space<hbm>>
      %dma_start3A_245 = tpu.memref_squeeze %dma_start3A_244 : memref<1x56x64xf32, #tpu.memory_space<hbm>> -> memref<56x64xf32, #tpu.memory_space<hbm>>
      tpu.enqueue_dma source(%arg7 : memref<56x64xf32, #tpu.memory_space<vmem>>) target(%dma_start3A_245 : memref<56x64xf32, #tpu.memory_space<hbm>>) target_semaphore(%arg23 : memref<!tpu.dma_semaphore, #tpu.memory_space<semaphore_mem>>)
      %add3A_246 = arith.constant 6 : i32
      %add3A_247 = arith.addi %add3A_189, %add3A_246 : i32
      %lt3A_248 = arith.constant 128 : i32
      %lt3A_249 = arith.cmpi slt, %add3A_247, %lt3A_248 : i32
      %convert_element_type3A_250 = arith.extui %lt3A_249 : i1 to i32
      %cond3A_251 = arith.constant 0 : i32
      %cond3A_252 = arith.cmpi ne, %convert_element_type3A_250, %cond3A_251 : i32
      scf.if %cond3A_252 {
        %ge3A = arith.constant 8 : i32
        %ge3A_655 = arith.cmpi sge, %add3A_247, %ge3A : i32
        %convert_element_type3A_656 = arith.extui %ge3A_655 : i1 to i32
        %cond3A_657 = arith.constant 0 : i32
        %cond3A_658 = arith.cmpi ne, %convert_element_type3A_656, %cond3A_657 : i32
        scf.if %cond3A_658 {
          %sub3A_706 = arith.constant 8 : i32
          %sub3A_707 = arith.subi %add3A_247, %sub3A_706 : i32
          %add3A_708 = arith.addi %mul3A_2, %sub3A_707 : i32
          %dma_wait3A_709 = arith.constant 0 : i32
          %dma_wait3A_710 = arith.constant 0 : i32
          %dma_wait3A_711 = tpu.memref_slice %arg4[%add3A_708, %dma_wait3A_709, %dma_wait3A_710] : memref<4096x64x64xf32, #tpu.memory_space<hbm>> -> memref<1x56x64xf32, #tpu.memory_space<hbm>>
          %dma_wait3A_712 = tpu.memref_squeeze %dma_wait3A_711 : memref<1x56x64xf32, #tpu.memory_space<hbm>> -> memref<56x64xf32, #tpu.memory_space<hbm>>
          %dma_wait3A_713 = arith.constant 0 : i32
          %dma_wait3A_714 = arith.constant 0 : i32
          %dma_wait3A_715 = tpu.memref_slice %arg4[%add3A_708, %dma_wait3A_713, %dma_wait3A_714] : memref<4096x64x64xf32, #tpu.memory_space<hbm>> -> memref<1x56x64xf32, #tpu.memory_space<hbm>>
          %dma_wait3A_716 = tpu.memref_squeeze %dma_wait3A_715 : memref<1x56x64xf32, #tpu.memory_space<hbm>> -> memref<56x64xf32, #tpu.memory_space<hbm>>
          tpu.wait_dma2 semaphore(%arg29 : memref<!tpu.dma_semaphore, #tpu.memory_space<semaphore_mem>>) src(%arg13 : memref<56x64xf32, #tpu.memory_space<vmem>>) dst(%dma_wait3A_716 : memref<56x64xf32, #tpu.memory_space<hbm>>)
        } else {
        }
        %jit3A_659 = arith.constant 2 : i32
        %div3A_660 = arith.divsi %add3A_247, %jit3A_659 : i32
        %sign3A_661 = arith.constant 0 : i32
        %sign3A_662 = arith.cmpi sgt, %add3A_247, %sign3A_661 : i32
        %sign3A_663 = arith.extui %sign3A_662 : i1 to i32
        %sign3A_664 = arith.constant 0 : i32
        %sign3A_665 = arith.cmpi slt, %add3A_247, %sign3A_664 : i32
        %sign3A_666 = arith.extui %sign3A_665 : i1 to i32
        %sign3A_667 = arith.subi %sign3A_663, %sign3A_666 : i32
        %sign3A_668 = arith.constant 0 : i32
        %sign3A_669 = arith.cmpi sgt, %jit3A_659, %sign3A_668 : i32
        %sign3A_670 = arith.extui %sign3A_669 : i1 to i32
        %sign3A_671 = arith.constant 0 : i32
        %sign3A_672 = arith.cmpi slt, %jit3A_659, %sign3A_671 : i32
        %sign3A_673 = arith.extui %sign3A_672 : i1 to i32
        %sign3A_674 = arith.subi %sign3A_670, %sign3A_673 : i32
        %ne3A_675 = arith.cmpi ne, %sign3A_667, %sign3A_674 : i32
        %rem3A_676 = arith.remsi %add3A_247, %jit3A_659 : i32
        %ne3A_677 = arith.constant 0 : i32
        %ne3A_678 = arith.cmpi ne, %rem3A_676, %ne3A_677 : i32
        %and3A_679 = arith.andi %ne3A_675, %ne3A_678 : i1
        %sub3A_680 = arith.constant 1 : i32
        %sub3A_681 = arith.subi %div3A_660, %sub3A_680 : i32
        %select_n3A_682 = arith.select %and3A_679, %sub3A_681, %div3A_660 : i32
        %jit3A_683 = arith.constant 2 : i32
        %eq3A_684 = arith.constant 0 : i32
        %eq3A_685 = arith.cmpi eq, %jit3A_683, %eq3A_684 : i32
        %jit3A_686 = arith.constant 1 : i32
        %select_n3A_687 = arith.select %eq3A_685, %jit3A_686, %jit3A_683 : i32
        %rem3A_688 = arith.remsi %add3A_247, %select_n3A_687 : i32
        %ne3A_689 = arith.constant 0 : i32
        %ne3A_690 = arith.cmpi ne, %rem3A_688, %ne3A_689 : i32
        %lt3A_691 = arith.constant 0 : i32
        %lt3A_692 = arith.cmpi slt, %rem3A_688, %lt3A_691 : i32
        %lt3A_693 = arith.constant 0 : i32
        %lt3A_694 = arith.cmpi slt, %select_n3A_687, %lt3A_693 : i32
        %ne3A_695 = arith.xori %lt3A_692, %lt3A_694 : i1
        %and3A_696 = arith.andi %ne3A_695, %ne3A_690 : i1
        %add3A_697 = arith.addi %rem3A_688, %select_n3A_687 : i32
        %select_n3A_698 = arith.select %and3A_696, %add3A_697, %rem3A_688 : i32
        %mul3A_699 = arith.constant 64 : i32
        %mul3A_700 = arith.muli %select_n3A_698, %mul3A_699 : i32
        %dma_start3A_701 = tpu.memref_slice %arg5[%select_n3A_682, %mul3A_700] : memref<64x128xi32, #tpu.memory_space<vmem>> -> memref<1x56xi32, #tpu.memory_space<vmem>>
        %dma_start3A_702 = tpu.memref_squeeze %dma_start3A_701 : memref<1x56xi32, #tpu.memory_space<vmem>> -> memref<56xi32, #tpu.memory_space<vmem>>
        %dma_start3A_703 = arith.constant 0 : i32
        %dma_start3A_704 = arith.constant 0 : i32
        %dma_start3A_705 = tpu.memref_slice %arg2[%dma_start3A_703, %dma_start3A_704] : memref<100001x64xf32, #tpu.memory_space<hbm>> -> memref<100001x64xf32, #tpu.memory_space<hbm>>
        tpu.enqueue_indirect_dma source(%dma_start3A_705 : memref<100001x64xf32, #tpu.memory_space<hbm>>) target(%arg13 : memref<56x64xf32, #tpu.memory_space<vmem>>) offsets(%dma_start3A_702 : memref<56xi32, #tpu.memory_space<vmem>>) semaphore(%arg21 : memref<!tpu.dma_semaphore, #tpu.memory_space<semaphore_mem>>)
      } else {
      }
      %mul3A_253 = arith.constant 8 : i32
      %mul3A_254 = arith.muli %scan3A_130, %mul3A_253 : i32
      %add3A_255 = arith.constant 2 : i32
      %add3A_256 = arith.addi %mul3A_254, %add3A_255 : i32
      %jit3A_257 = arith.constant 2 : i32
      %div3A_258 = arith.divsi %add3A_256, %jit3A_257 : i32
      %sign3A_259 = arith.constant 0 : i32
      %sign3A_260 = arith.cmpi sgt, %add3A_256, %sign3A_259 : i32
      %sign3A_261 = arith.extui %sign3A_260 : i1 to i32
      %sign3A_262 = arith.constant 0 : i32
      %sign3A_263 = arith.cmpi slt, %add3A_256, %sign3A_262 : i32
      %sign3A_264 = arith.extui %sign3A_263 : i1 to i32
      %sign3A_265 = arith.subi %sign3A_261, %sign3A_264 : i32
      %sign3A_266 = arith.constant 0 : i32
      %sign3A_267 = arith.cmpi sgt, %jit3A_257, %sign3A_266 : i32
      %sign3A_268 = arith.extui %sign3A_267 : i1 to i32
      %sign3A_269 = arith.constant 0 : i32
      %sign3A_270 = arith.cmpi slt, %jit3A_257, %sign3A_269 : i32
      %sign3A_271 = arith.extui %sign3A_270 : i1 to i32
      %sign3A_272 = arith.subi %sign3A_268, %sign3A_271 : i32
      %ne3A_273 = arith.cmpi ne, %sign3A_265, %sign3A_272 : i32
      %rem3A_274 = arith.remsi %add3A_256, %jit3A_257 : i32
      %ne3A_275 = arith.constant 0 : i32
      %ne3A_276 = arith.cmpi ne, %rem3A_274, %ne3A_275 : i32
      %and3A_277 = arith.andi %ne3A_273, %ne3A_276 : i1
      %sub3A_278 = arith.constant 1 : i32
      %sub3A_279 = arith.subi %div3A_258, %sub3A_278 : i32
      %select_n3A_280 = arith.select %and3A_277, %sub3A_279, %div3A_258 : i32
      %jit3A_281 = arith.constant 2 : i32
      %eq3A_282 = arith.constant 0 : i32
      %eq3A_283 = arith.cmpi eq, %jit3A_281, %eq3A_282 : i32
      %jit3A_284 = arith.constant 1 : i32
      %select_n3A_285 = arith.select %eq3A_283, %jit3A_284, %jit3A_281 : i32
      %rem3A_286 = arith.remsi %add3A_256, %select_n3A_285 : i32
      %ne3A_287 = arith.constant 0 : i32
      %ne3A_288 = arith.cmpi ne, %rem3A_286, %ne3A_287 : i32
      %lt3A_289 = arith.constant 0 : i32
      %lt3A_290 = arith.cmpi slt, %rem3A_286, %lt3A_289 : i32
      %lt3A_291 = arith.constant 0 : i32
      %lt3A_292 = arith.cmpi slt, %select_n3A_285, %lt3A_291 : i32
      %ne3A_293 = arith.xori %lt3A_290, %lt3A_292 : i1
      %and3A_294 = arith.andi %ne3A_293, %ne3A_288 : i1
      %add3A_295 = arith.addi %rem3A_286, %select_n3A_285 : i32
      %select_n3A_296 = arith.select %and3A_294, %add3A_295, %rem3A_286 : i32
      %mul3A_297 = arith.constant 64 : i32
      %mul3A_298 = arith.muli %select_n3A_296, %mul3A_297 : i32
      %dma_wait3A_299 = tpu.memref_slice %arg5[%select_n3A_280, %mul3A_298] : memref<64x128xi32, #tpu.memory_space<vmem>> -> memref<1x56xi32, #tpu.memory_space<vmem>>
      %dma_wait3A_300 = tpu.memref_squeeze %dma_wait3A_299 : memref<1x56xi32, #tpu.memory_space<vmem>> -> memref<56xi32, #tpu.memory_space<vmem>>
      %dma_wait3A_301 = arith.constant 0 : i32
      %dma_wait3A_302 = arith.constant 0 : i32
      %dma_wait3A_303 = tpu.memref_slice %arg2[%dma_wait3A_301, %dma_wait3A_302] : memref<100001x64xf32, #tpu.memory_space<hbm>> -> memref<100001x64xf32, #tpu.memory_space<hbm>>
      tpu.wait_indirect_dma semaphore(%arg16 : memref<!tpu.dma_semaphore, #tpu.memory_space<semaphore_mem>>) src(%dma_wait3A_303 : memref<100001x64xf32, #tpu.memory_space<hbm>>) dst(%arg8 : memref<56x64xf32, #tpu.memory_space<vmem>>)
      %add3A_304 = arith.addi %mul3A_2, %add3A_256 : i32
      %dma_start3A_305 = arith.constant 0 : i32
      %dma_start3A_306 = arith.constant 0 : i32
      %dma_start3A_307 = tpu.memref_slice %arg4[%add3A_304, %dma_start3A_305, %dma_start3A_306] : memref<4096x64x64xf32, #tpu.memory_space<hbm>> -> memref<1x56x64xf32, #tpu.memory_space<hbm>>
      %dma_start3A_308 = tpu.memref_squeeze %dma_start3A_307 : memref<1x56x64xf32, #tpu.memory_space<hbm>> -> memref<56x64xf32, #tpu.memory_space<hbm>>
      %dma_start3A_309 = arith.constant 0 : i32
      %dma_start3A_310 = arith.constant 0 : i32
      %dma_start3A_311 = tpu.memref_slice %arg4[%add3A_304, %dma_start3A_309, %dma_start3A_310] : memref<4096x64x64xf32, #tpu.memory_space<hbm>> -> memref<1x56x64xf32, #tpu.memory_space<hbm>>
      %dma_start3A_312 = tpu.memref_squeeze %dma_start3A_311 : memref<1x56x64xf32, #tpu.memory_space<hbm>> -> memref<56x64xf32, #tpu.memory_space<hbm>>
      tpu.enqueue_dma source(%arg8 : memref<56x64xf32, #tpu.memory_space<vmem>>) target(%dma_start3A_312 : memref<56x64xf32, #tpu.memory_space<hbm>>) target_semaphore(%arg24 : memref<!tpu.dma_semaphore, #tpu.memory_space<semaphore_mem>>)
      %add3A_313 = arith.constant 6 : i32
      %add3A_314 = arith.addi %add3A_256, %add3A_313 : i32
      %lt3A_315 = arith.constant 128 : i32
      %lt3A_316 = arith.cmpi slt, %add3A_314, %lt3A_315 : i32
      %convert_element_type3A_317 = arith.extui %lt3A_316 : i1 to i32
      %cond3A_318 = arith.constant 0 : i32
      %cond3A_319 = arith.cmpi ne, %convert_element_type3A_317, %cond3A_318 : i32
      scf.if %cond3A_319 {
        %ge3A = arith.constant 8 : i32
        %ge3A_655 = arith.cmpi sge, %add3A_314, %ge3A : i32
        %convert_element_type3A_656 = arith.extui %ge3A_655 : i1 to i32
        %cond3A_657 = arith.constant 0 : i32
        %cond3A_658 = arith.cmpi ne, %convert_element_type3A_656, %cond3A_657 : i32
        scf.if %cond3A_658 {
          %sub3A_706 = arith.constant 8 : i32
          %sub3A_707 = arith.subi %add3A_314, %sub3A_706 : i32
          %add3A_708 = arith.addi %mul3A_2, %sub3A_707 : i32
          %dma_wait3A_709 = arith.constant 0 : i32
          %dma_wait3A_710 = arith.constant 0 : i32
          %dma_wait3A_711 = tpu.memref_slice %arg4[%add3A_708, %dma_wait3A_709, %dma_wait3A_710] : memref<4096x64x64xf32, #tpu.memory_space<hbm>> -> memref<1x56x64xf32, #tpu.memory_space<hbm>>
          %dma_wait3A_712 = tpu.memref_squeeze %dma_wait3A_711 : memref<1x56x64xf32, #tpu.memory_space<hbm>> -> memref<56x64xf32, #tpu.memory_space<hbm>>
          %dma_wait3A_713 = arith.constant 0 : i32
          %dma_wait3A_714 = arith.constant 0 : i32
          %dma_wait3A_715 = tpu.memref_slice %arg4[%add3A_708, %dma_wait3A_713, %dma_wait3A_714] : memref<4096x64x64xf32, #tpu.memory_space<hbm>> -> memref<1x56x64xf32, #tpu.memory_space<hbm>>
          %dma_wait3A_716 = tpu.memref_squeeze %dma_wait3A_715 : memref<1x56x64xf32, #tpu.memory_space<hbm>> -> memref<56x64xf32, #tpu.memory_space<hbm>>
          tpu.wait_dma2 semaphore(%arg22 : memref<!tpu.dma_semaphore, #tpu.memory_space<semaphore_mem>>) src(%arg6 : memref<56x64xf32, #tpu.memory_space<vmem>>) dst(%dma_wait3A_716 : memref<56x64xf32, #tpu.memory_space<hbm>>)
        } else {
        }
        %jit3A_659 = arith.constant 2 : i32
        %div3A_660 = arith.divsi %add3A_314, %jit3A_659 : i32
        %sign3A_661 = arith.constant 0 : i32
        %sign3A_662 = arith.cmpi sgt, %add3A_314, %sign3A_661 : i32
        %sign3A_663 = arith.extui %sign3A_662 : i1 to i32
        %sign3A_664 = arith.constant 0 : i32
        %sign3A_665 = arith.cmpi slt, %add3A_314, %sign3A_664 : i32
        %sign3A_666 = arith.extui %sign3A_665 : i1 to i32
        %sign3A_667 = arith.subi %sign3A_663, %sign3A_666 : i32
        %sign3A_668 = arith.constant 0 : i32
        %sign3A_669 = arith.cmpi sgt, %jit3A_659, %sign3A_668 : i32
        %sign3A_670 = arith.extui %sign3A_669 : i1 to i32
        %sign3A_671 = arith.constant 0 : i32
        %sign3A_672 = arith.cmpi slt, %jit3A_659, %sign3A_671 : i32
        %sign3A_673 = arith.extui %sign3A_672 : i1 to i32
        %sign3A_674 = arith.subi %sign3A_670, %sign3A_673 : i32
        %ne3A_675 = arith.cmpi ne, %sign3A_667, %sign3A_674 : i32
        %rem3A_676 = arith.remsi %add3A_314, %jit3A_659 : i32
        %ne3A_677 = arith.constant 0 : i32
        %ne3A_678 = arith.cmpi ne, %rem3A_676, %ne3A_677 : i32
        %and3A_679 = arith.andi %ne3A_675, %ne3A_678 : i1
        %sub3A_680 = arith.constant 1 : i32
        %sub3A_681 = arith.subi %div3A_660, %sub3A_680 : i32
        %select_n3A_682 = arith.select %and3A_679, %sub3A_681, %div3A_660 : i32
        %jit3A_683 = arith.constant 2 : i32
        %eq3A_684 = arith.constant 0 : i32
        %eq3A_685 = arith.cmpi eq, %jit3A_683, %eq3A_684 : i32
        %jit3A_686 = arith.constant 1 : i32
        %select_n3A_687 = arith.select %eq3A_685, %jit3A_686, %jit3A_683 : i32
        %rem3A_688 = arith.remsi %add3A_314, %select_n3A_687 : i32
        %ne3A_689 = arith.constant 0 : i32
        %ne3A_690 = arith.cmpi ne, %rem3A_688, %ne3A_689 : i32
        %lt3A_691 = arith.constant 0 : i32
        %lt3A_692 = arith.cmpi slt, %rem3A_688, %lt3A_691 : i32
        %lt3A_693 = arith.constant 0 : i32
        %lt3A_694 = arith.cmpi slt, %select_n3A_687, %lt3A_693 : i32
        %ne3A_695 = arith.xori %lt3A_692, %lt3A_694 : i1
        %and3A_696 = arith.andi %ne3A_695, %ne3A_690 : i1
        %add3A_697 = arith.addi %rem3A_688, %select_n3A_687 : i32
        %select_n3A_698 = arith.select %and3A_696, %add3A_697, %rem3A_688 : i32
        %mul3A_699 = arith.constant 64 : i32
        %mul3A_700 = arith.muli %select_n3A_698, %mul3A_699 : i32
        %dma_start3A_701 = tpu.memref_slice %arg5[%select_n3A_682, %mul3A_700] : memref<64x128xi32, #tpu.memory_space<vmem>> -> memref<1x56xi32, #tpu.memory_space<vmem>>
        %dma_start3A_702 = tpu.memref_squeeze %dma_start3A_701 : memref<1x56xi32, #tpu.memory_space<vmem>> -> memref<56xi32, #tpu.memory_space<vmem>>
        %dma_start3A_703 = arith.constant 0 : i32
        %dma_start3A_704 = arith.constant 0 : i32
        %dma_start3A_705 = tpu.memref_slice %arg2[%dma_start3A_703, %dma_start3A_704] : memref<100001x64xf32, #tpu.memory_space<hbm>> -> memref<100001x64xf32, #tpu.memory_space<hbm>>
        tpu.enqueue_indirect_dma source(%dma_start3A_705 : memref<100001x64xf32, #tpu.memory_space<hbm>>) target(%arg6 : memref<56x64xf32, #tpu.memory_space<vmem>>) offsets(%dma_start3A_702 : memref<56xi32, #tpu.memory_space<vmem>>) semaphore(%arg14 : memref<!tpu.dma_semaphore, #tpu.memory_space<semaphore_mem>>)
      } else {
      }
      %mul3A_320 = arith.constant 8 : i32
      %mul3A_321 = arith.muli %scan3A_130, %mul3A_320 : i32
      %add3A_322 = arith.constant 3 : i32
      %add3A_323 = arith.addi %mul3A_321, %add3A_322 : i32
      %jit3A_324 = arith.constant 2 : i32
      %div3A_325 = arith.divsi %add3A_323, %jit3A_324 : i32
      %sign3A_326 = arith.constant 0 : i32
      %sign3A_327 = arith.cmpi sgt, %add3A_323, %sign3A_326 : i32
      %sign3A_328 = arith.extui %sign3A_327 : i1 to i32
      %sign3A_329 = arith.constant 0 : i32
      %sign3A_330 = arith.cmpi slt, %add3A_323, %sign3A_329 : i32
      %sign3A_331 = arith.extui %sign3A_330 : i1 to i32
      %sign3A_332 = arith.subi %sign3A_328, %sign3A_331 : i32
      %sign3A_333 = arith.constant 0 : i32
      %sign3A_334 = arith.cmpi sgt, %jit3A_324, %sign3A_333 : i32
      %sign3A_335 = arith.extui %sign3A_334 : i1 to i32
      %sign3A_336 = arith.constant 0 : i32
      %sign3A_337 = arith.cmpi slt, %jit3A_324, %sign3A_336 : i32
      %sign3A_338 = arith.extui %sign3A_337 : i1 to i32
      %sign3A_339 = arith.subi %sign3A_335, %sign3A_338 : i32
      %ne3A_340 = arith.cmpi ne, %sign3A_332, %sign3A_339 : i32
      %rem3A_341 = arith.remsi %add3A_323, %jit3A_324 : i32
      %ne3A_342 = arith.constant 0 : i32
      %ne3A_343 = arith.cmpi ne, %rem3A_341, %ne3A_342 : i32
      %and3A_344 = arith.andi %ne3A_340, %ne3A_343 : i1
      %sub3A_345 = arith.constant 1 : i32
      %sub3A_346 = arith.subi %div3A_325, %sub3A_345 : i32
      %select_n3A_347 = arith.select %and3A_344, %sub3A_346, %div3A_325 : i32
      %jit3A_348 = arith.constant 2 : i32
      %eq3A_349 = arith.constant 0 : i32
      %eq3A_350 = arith.cmpi eq, %jit3A_348, %eq3A_349 : i32
      %jit3A_351 = arith.constant 1 : i32
      %select_n3A_352 = arith.select %eq3A_350, %jit3A_351, %jit3A_348 : i32
      %rem3A_353 = arith.remsi %add3A_323, %select_n3A_352 : i32
      %ne3A_354 = arith.constant 0 : i32
      %ne3A_355 = arith.cmpi ne, %rem3A_353, %ne3A_354 : i32
      %lt3A_356 = arith.constant 0 : i32
      %lt3A_357 = arith.cmpi slt, %rem3A_353, %lt3A_356 : i32
      %lt3A_358 = arith.constant 0 : i32
      %lt3A_359 = arith.cmpi slt, %select_n3A_352, %lt3A_358 : i32
      %ne3A_360 = arith.xori %lt3A_357, %lt3A_359 : i1
      %and3A_361 = arith.andi %ne3A_360, %ne3A_355 : i1
      %add3A_362 = arith.addi %rem3A_353, %select_n3A_352 : i32
      %select_n3A_363 = arith.select %and3A_361, %add3A_362, %rem3A_353 : i32
      %mul3A_364 = arith.constant 64 : i32
      %mul3A_365 = arith.muli %select_n3A_363, %mul3A_364 : i32
      %dma_wait3A_366 = tpu.memref_slice %arg5[%select_n3A_347, %mul3A_365] : memref<64x128xi32, #tpu.memory_space<vmem>> -> memref<1x56xi32, #tpu.memory_space<vmem>>
      %dma_wait3A_367 = tpu.memref_squeeze %dma_wait3A_366 : memref<1x56xi32, #tpu.memory_space<vmem>> -> memref<56xi32, #tpu.memory_space<vmem>>
      %dma_wait3A_368 = arith.constant 0 : i32
      %dma_wait3A_369 = arith.constant 0 : i32
      %dma_wait3A_370 = tpu.memref_slice %arg2[%dma_wait3A_368, %dma_wait3A_369] : memref<100001x64xf32, #tpu.memory_space<hbm>> -> memref<100001x64xf32, #tpu.memory_space<hbm>>
      tpu.wait_indirect_dma semaphore(%arg17 : memref<!tpu.dma_semaphore, #tpu.memory_space<semaphore_mem>>) src(%dma_wait3A_370 : memref<100001x64xf32, #tpu.memory_space<hbm>>) dst(%arg9 : memref<56x64xf32, #tpu.memory_space<vmem>>)
      %add3A_371 = arith.addi %mul3A_2, %add3A_323 : i32
      %dma_start3A_372 = arith.constant 0 : i32
      %dma_start3A_373 = arith.constant 0 : i32
      %dma_start3A_374 = tpu.memref_slice %arg4[%add3A_371, %dma_start3A_372, %dma_start3A_373] : memref<4096x64x64xf32, #tpu.memory_space<hbm>> -> memref<1x56x64xf32, #tpu.memory_space<hbm>>
      %dma_start3A_375 = tpu.memref_squeeze %dma_start3A_374 : memref<1x56x64xf32, #tpu.memory_space<hbm>> -> memref<56x64xf32, #tpu.memory_space<hbm>>
      %dma_start3A_376 = arith.constant 0 : i32
      %dma_start3A_377 = arith.constant 0 : i32
      %dma_start3A_378 = tpu.memref_slice %arg4[%add3A_371, %dma_start3A_376, %dma_start3A_377] : memref<4096x64x64xf32, #tpu.memory_space<hbm>> -> memref<1x56x64xf32, #tpu.memory_space<hbm>>
      %dma_start3A_379 = tpu.memref_squeeze %dma_start3A_378 : memref<1x56x64xf32, #tpu.memory_space<hbm>> -> memref<56x64xf32, #tpu.memory_space<hbm>>
      tpu.enqueue_dma source(%arg9 : memref<56x64xf32, #tpu.memory_space<vmem>>) target(%dma_start3A_379 : memref<56x64xf32, #tpu.memory_space<hbm>>) target_semaphore(%arg25 : memref<!tpu.dma_semaphore, #tpu.memory_space<semaphore_mem>>)
      %add3A_380 = arith.constant 6 : i32
      %add3A_381 = arith.addi %add3A_323, %add3A_380 : i32
      %lt3A_382 = arith.constant 128 : i32
      %lt3A_383 = arith.cmpi slt, %add3A_381, %lt3A_382 : i32
      %convert_element_type3A_384 = arith.extui %lt3A_383 : i1 to i32
      %cond3A_385 = arith.constant 0 : i32
      %cond3A_386 = arith.cmpi ne, %convert_element_type3A_384, %cond3A_385 : i32
      scf.if %cond3A_386 {
        %ge3A = arith.constant 8 : i32
        %ge3A_655 = arith.cmpi sge, %add3A_381, %ge3A : i32
        %convert_element_type3A_656 = arith.extui %ge3A_655 : i1 to i32
        %cond3A_657 = arith.constant 0 : i32
        %cond3A_658 = arith.cmpi ne, %convert_element_type3A_656, %cond3A_657 : i32
        scf.if %cond3A_658 {
          %sub3A_706 = arith.constant 8 : i32
          %sub3A_707 = arith.subi %add3A_381, %sub3A_706 : i32
          %add3A_708 = arith.addi %mul3A_2, %sub3A_707 : i32
          %dma_wait3A_709 = arith.constant 0 : i32
          %dma_wait3A_710 = arith.constant 0 : i32
          %dma_wait3A_711 = tpu.memref_slice %arg4[%add3A_708, %dma_wait3A_709, %dma_wait3A_710] : memref<4096x64x64xf32, #tpu.memory_space<hbm>> -> memref<1x56x64xf32, #tpu.memory_space<hbm>>
          %dma_wait3A_712 = tpu.memref_squeeze %dma_wait3A_711 : memref<1x56x64xf32, #tpu.memory_space<hbm>> -> memref<56x64xf32, #tpu.memory_space<hbm>>
          %dma_wait3A_713 = arith.constant 0 : i32
          %dma_wait3A_714 = arith.constant 0 : i32
          %dma_wait3A_715 = tpu.memref_slice %arg4[%add3A_708, %dma_wait3A_713, %dma_wait3A_714] : memref<4096x64x64xf32, #tpu.memory_space<hbm>> -> memref<1x56x64xf32, #tpu.memory_space<hbm>>
          %dma_wait3A_716 = tpu.memref_squeeze %dma_wait3A_715 : memref<1x56x64xf32, #tpu.memory_space<hbm>> -> memref<56x64xf32, #tpu.memory_space<hbm>>
          tpu.wait_dma2 semaphore(%arg23 : memref<!tpu.dma_semaphore, #tpu.memory_space<semaphore_mem>>) src(%arg7 : memref<56x64xf32, #tpu.memory_space<vmem>>) dst(%dma_wait3A_716 : memref<56x64xf32, #tpu.memory_space<hbm>>)
        } else {
        }
        %jit3A_659 = arith.constant 2 : i32
        %div3A_660 = arith.divsi %add3A_381, %jit3A_659 : i32
        %sign3A_661 = arith.constant 0 : i32
        %sign3A_662 = arith.cmpi sgt, %add3A_381, %sign3A_661 : i32
        %sign3A_663 = arith.extui %sign3A_662 : i1 to i32
        %sign3A_664 = arith.constant 0 : i32
        %sign3A_665 = arith.cmpi slt, %add3A_381, %sign3A_664 : i32
        %sign3A_666 = arith.extui %sign3A_665 : i1 to i32
        %sign3A_667 = arith.subi %sign3A_663, %sign3A_666 : i32
        %sign3A_668 = arith.constant 0 : i32
        %sign3A_669 = arith.cmpi sgt, %jit3A_659, %sign3A_668 : i32
        %sign3A_670 = arith.extui %sign3A_669 : i1 to i32
        %sign3A_671 = arith.constant 0 : i32
        %sign3A_672 = arith.cmpi slt, %jit3A_659, %sign3A_671 : i32
        %sign3A_673 = arith.extui %sign3A_672 : i1 to i32
        %sign3A_674 = arith.subi %sign3A_670, %sign3A_673 : i32
        %ne3A_675 = arith.cmpi ne, %sign3A_667, %sign3A_674 : i32
        %rem3A_676 = arith.remsi %add3A_381, %jit3A_659 : i32
        %ne3A_677 = arith.constant 0 : i32
        %ne3A_678 = arith.cmpi ne, %rem3A_676, %ne3A_677 : i32
        %and3A_679 = arith.andi %ne3A_675, %ne3A_678 : i1
        %sub3A_680 = arith.constant 1 : i32
        %sub3A_681 = arith.subi %div3A_660, %sub3A_680 : i32
        %select_n3A_682 = arith.select %and3A_679, %sub3A_681, %div3A_660 : i32
        %jit3A_683 = arith.constant 2 : i32
        %eq3A_684 = arith.constant 0 : i32
        %eq3A_685 = arith.cmpi eq, %jit3A_683, %eq3A_684 : i32
        %jit3A_686 = arith.constant 1 : i32
        %select_n3A_687 = arith.select %eq3A_685, %jit3A_686, %jit3A_683 : i32
        %rem3A_688 = arith.remsi %add3A_381, %select_n3A_687 : i32
        %ne3A_689 = arith.constant 0 : i32
        %ne3A_690 = arith.cmpi ne, %rem3A_688, %ne3A_689 : i32
        %lt3A_691 = arith.constant 0 : i32
        %lt3A_692 = arith.cmpi slt, %rem3A_688, %lt3A_691 : i32
        %lt3A_693 = arith.constant 0 : i32
        %lt3A_694 = arith.cmpi slt, %select_n3A_687, %lt3A_693 : i32
        %ne3A_695 = arith.xori %lt3A_692, %lt3A_694 : i1
        %and3A_696 = arith.andi %ne3A_695, %ne3A_690 : i1
        %add3A_697 = arith.addi %rem3A_688, %select_n3A_687 : i32
        %select_n3A_698 = arith.select %and3A_696, %add3A_697, %rem3A_688 : i32
        %mul3A_699 = arith.constant 64 : i32
        %mul3A_700 = arith.muli %select_n3A_698, %mul3A_699 : i32
        %dma_start3A_701 = tpu.memref_slice %arg5[%select_n3A_682, %mul3A_700] : memref<64x128xi32, #tpu.memory_space<vmem>> -> memref<1x56xi32, #tpu.memory_space<vmem>>
        %dma_start3A_702 = tpu.memref_squeeze %dma_start3A_701 : memref<1x56xi32, #tpu.memory_space<vmem>> -> memref<56xi32, #tpu.memory_space<vmem>>
        %dma_start3A_703 = arith.constant 0 : i32
        %dma_start3A_704 = arith.constant 0 : i32
        %dma_start3A_705 = tpu.memref_slice %arg2[%dma_start3A_703, %dma_start3A_704] : memref<100001x64xf32, #tpu.memory_space<hbm>> -> memref<100001x64xf32, #tpu.memory_space<hbm>>
        tpu.enqueue_indirect_dma source(%dma_start3A_705 : memref<100001x64xf32, #tpu.memory_space<hbm>>) target(%arg7 : memref<56x64xf32, #tpu.memory_space<vmem>>) offsets(%dma_start3A_702 : memref<56xi32, #tpu.memory_space<vmem>>) semaphore(%arg15 : memref<!tpu.dma_semaphore, #tpu.memory_space<semaphore_mem>>)
      } else {
      }
      %mul3A_387 = arith.constant 8 : i32
      %mul3A_388 = arith.muli %scan3A_130, %mul3A_387 : i32
      %add3A_389 = arith.constant 4 : i32
      %add3A_390 = arith.addi %mul3A_388, %add3A_389 : i32
      %jit3A_391 = arith.constant 2 : i32
      %div3A_392 = arith.divsi %add3A_390, %jit3A_391 : i32
      %sign3A_393 = arith.constant 0 : i32
      %sign3A_394 = arith.cmpi sgt, %add3A_390, %sign3A_393 : i32
      %sign3A_395 = arith.extui %sign3A_394 : i1 to i32
      %sign3A_396 = arith.constant 0 : i32
      %sign3A_397 = arith.cmpi slt, %add3A_390, %sign3A_396 : i32
      %sign3A_398 = arith.extui %sign3A_397 : i1 to i32
      %sign3A_399 = arith.subi %sign3A_395, %sign3A_398 : i32
      %sign3A_400 = arith.constant 0 : i32
      %sign3A_401 = arith.cmpi sgt, %jit3A_391, %sign3A_400 : i32
      %sign3A_402 = arith.extui %sign3A_401 : i1 to i32
      %sign3A_403 = arith.constant 0 : i32
      %sign3A_404 = arith.cmpi slt, %jit3A_391, %sign3A_403 : i32
      %sign3A_405 = arith.extui %sign3A_404 : i1 to i32
      %sign3A_406 = arith.subi %sign3A_402, %sign3A_405 : i32
      %ne3A_407 = arith.cmpi ne, %sign3A_399, %sign3A_406 : i32
      %rem3A_408 = arith.remsi %add3A_390, %jit3A_391 : i32
      %ne3A_409 = arith.constant 0 : i32
      %ne3A_410 = arith.cmpi ne, %rem3A_408, %ne3A_409 : i32
      %and3A_411 = arith.andi %ne3A_407, %ne3A_410 : i1
      %sub3A_412 = arith.constant 1 : i32
      %sub3A_413 = arith.subi %div3A_392, %sub3A_412 : i32
      %select_n3A_414 = arith.select %and3A_411, %sub3A_413, %div3A_392 : i32
      %jit3A_415 = arith.constant 2 : i32
      %eq3A_416 = arith.constant 0 : i32
      %eq3A_417 = arith.cmpi eq, %jit3A_415, %eq3A_416 : i32
      %jit3A_418 = arith.constant 1 : i32
      %select_n3A_419 = arith.select %eq3A_417, %jit3A_418, %jit3A_415 : i32
      %rem3A_420 = arith.remsi %add3A_390, %select_n3A_419 : i32
      %ne3A_421 = arith.constant 0 : i32
      %ne3A_422 = arith.cmpi ne, %rem3A_420, %ne3A_421 : i32
      %lt3A_423 = arith.constant 0 : i32
      %lt3A_424 = arith.cmpi slt, %rem3A_420, %lt3A_423 : i32
      %lt3A_425 = arith.constant 0 : i32
      %lt3A_426 = arith.cmpi slt, %select_n3A_419, %lt3A_425 : i32
      %ne3A_427 = arith.xori %lt3A_424, %lt3A_426 : i1
      %and3A_428 = arith.andi %ne3A_427, %ne3A_422 : i1
      %add3A_429 = arith.addi %rem3A_420, %select_n3A_419 : i32
      %select_n3A_430 = arith.select %and3A_428, %add3A_429, %rem3A_420 : i32
      %mul3A_431 = arith.constant 64 : i32
      %mul3A_432 = arith.muli %select_n3A_430, %mul3A_431 : i32
      %dma_wait3A_433 = tpu.memref_slice %arg5[%select_n3A_414, %mul3A_432] : memref<64x128xi32, #tpu.memory_space<vmem>> -> memref<1x56xi32, #tpu.memory_space<vmem>>
      %dma_wait3A_434 = tpu.memref_squeeze %dma_wait3A_433 : memref<1x56xi32, #tpu.memory_space<vmem>> -> memref<56xi32, #tpu.memory_space<vmem>>
      %dma_wait3A_435 = arith.constant 0 : i32
      %dma_wait3A_436 = arith.constant 0 : i32
      %dma_wait3A_437 = tpu.memref_slice %arg2[%dma_wait3A_435, %dma_wait3A_436] : memref<100001x64xf32, #tpu.memory_space<hbm>> -> memref<100001x64xf32, #tpu.memory_space<hbm>>
      tpu.wait_indirect_dma semaphore(%arg18 : memref<!tpu.dma_semaphore, #tpu.memory_space<semaphore_mem>>) src(%dma_wait3A_437 : memref<100001x64xf32, #tpu.memory_space<hbm>>) dst(%arg10 : memref<56x64xf32, #tpu.memory_space<vmem>>)
      %add3A_438 = arith.addi %mul3A_2, %add3A_390 : i32
      %dma_start3A_439 = arith.constant 0 : i32
      %dma_start3A_440 = arith.constant 0 : i32
      %dma_start3A_441 = tpu.memref_slice %arg4[%add3A_438, %dma_start3A_439, %dma_start3A_440] : memref<4096x64x64xf32, #tpu.memory_space<hbm>> -> memref<1x56x64xf32, #tpu.memory_space<hbm>>
      %dma_start3A_442 = tpu.memref_squeeze %dma_start3A_441 : memref<1x56x64xf32, #tpu.memory_space<hbm>> -> memref<56x64xf32, #tpu.memory_space<hbm>>
      %dma_start3A_443 = arith.constant 0 : i32
      %dma_start3A_444 = arith.constant 0 : i32
      %dma_start3A_445 = tpu.memref_slice %arg4[%add3A_438, %dma_start3A_443, %dma_start3A_444] : memref<4096x64x64xf32, #tpu.memory_space<hbm>> -> memref<1x56x64xf32, #tpu.memory_space<hbm>>
      %dma_start3A_446 = tpu.memref_squeeze %dma_start3A_445 : memref<1x56x64xf32, #tpu.memory_space<hbm>> -> memref<56x64xf32, #tpu.memory_space<hbm>>
      tpu.enqueue_dma source(%arg10 : memref<56x64xf32, #tpu.memory_space<vmem>>) target(%dma_start3A_446 : memref<56x64xf32, #tpu.memory_space<hbm>>) target_semaphore(%arg26 : memref<!tpu.dma_semaphore, #tpu.memory_space<semaphore_mem>>)
      %add3A_447 = arith.constant 6 : i32
      %add3A_448 = arith.addi %add3A_390, %add3A_447 : i32
      %lt3A_449 = arith.constant 128 : i32
      %lt3A_450 = arith.cmpi slt, %add3A_448, %lt3A_449 : i32
      %convert_element_type3A_451 = arith.extui %lt3A_450 : i1 to i32
      %cond3A_452 = arith.constant 0 : i32
      %cond3A_453 = arith.cmpi ne, %convert_element_type3A_451, %cond3A_452 : i32
      scf.if %cond3A_453 {
        %ge3A = arith.constant 8 : i32
        %ge3A_655 = arith.cmpi sge, %add3A_448, %ge3A : i32
        %convert_element_type3A_656 = arith.extui %ge3A_655 : i1 to i32
        %cond3A_657 = arith.constant 0 : i32
        %cond3A_658 = arith.cmpi ne, %convert_element_type3A_656, %cond3A_657 : i32
        scf.if %cond3A_658 {
          %sub3A_706 = arith.constant 8 : i32
          %sub3A_707 = arith.subi %add3A_448, %sub3A_706 : i32
          %add3A_708 = arith.addi %mul3A_2, %sub3A_707 : i32
          %dma_wait3A_709 = arith.constant 0 : i32
          %dma_wait3A_710 = arith.constant 0 : i32
          %dma_wait3A_711 = tpu.memref_slice %arg4[%add3A_708, %dma_wait3A_709, %dma_wait3A_710] : memref<4096x64x64xf32, #tpu.memory_space<hbm>> -> memref<1x56x64xf32, #tpu.memory_space<hbm>>
          %dma_wait3A_712 = tpu.memref_squeeze %dma_wait3A_711 : memref<1x56x64xf32, #tpu.memory_space<hbm>> -> memref<56x64xf32, #tpu.memory_space<hbm>>
          %dma_wait3A_713 = arith.constant 0 : i32
          %dma_wait3A_714 = arith.constant 0 : i32
          %dma_wait3A_715 = tpu.memref_slice %arg4[%add3A_708, %dma_wait3A_713, %dma_wait3A_714] : memref<4096x64x64xf32, #tpu.memory_space<hbm>> -> memref<1x56x64xf32, #tpu.memory_space<hbm>>
          %dma_wait3A_716 = tpu.memref_squeeze %dma_wait3A_715 : memref<1x56x64xf32, #tpu.memory_space<hbm>> -> memref<56x64xf32, #tpu.memory_space<hbm>>
          tpu.wait_dma2 semaphore(%arg24 : memref<!tpu.dma_semaphore, #tpu.memory_space<semaphore_mem>>) src(%arg8 : memref<56x64xf32, #tpu.memory_space<vmem>>) dst(%dma_wait3A_716 : memref<56x64xf32, #tpu.memory_space<hbm>>)
        } else {
        }
        %jit3A_659 = arith.constant 2 : i32
        %div3A_660 = arith.divsi %add3A_448, %jit3A_659 : i32
        %sign3A_661 = arith.constant 0 : i32
        %sign3A_662 = arith.cmpi sgt, %add3A_448, %sign3A_661 : i32
        %sign3A_663 = arith.extui %sign3A_662 : i1 to i32
        %sign3A_664 = arith.constant 0 : i32
        %sign3A_665 = arith.cmpi slt, %add3A_448, %sign3A_664 : i32
        %sign3A_666 = arith.extui %sign3A_665 : i1 to i32
        %sign3A_667 = arith.subi %sign3A_663, %sign3A_666 : i32
        %sign3A_668 = arith.constant 0 : i32
        %sign3A_669 = arith.cmpi sgt, %jit3A_659, %sign3A_668 : i32
        %sign3A_670 = arith.extui %sign3A_669 : i1 to i32
        %sign3A_671 = arith.constant 0 : i32
        %sign3A_672 = arith.cmpi slt, %jit3A_659, %sign3A_671 : i32
        %sign3A_673 = arith.extui %sign3A_672 : i1 to i32
        %sign3A_674 = arith.subi %sign3A_670, %sign3A_673 : i32
        %ne3A_675 = arith.cmpi ne, %sign3A_667, %sign3A_674 : i32
        %rem3A_676 = arith.remsi %add3A_448, %jit3A_659 : i32
        %ne3A_677 = arith.constant 0 : i32
        %ne3A_678 = arith.cmpi ne, %rem3A_676, %ne3A_677 : i32
        %and3A_679 = arith.andi %ne3A_675, %ne3A_678 : i1
        %sub3A_680 = arith.constant 1 : i32
        %sub3A_681 = arith.subi %div3A_660, %sub3A_680 : i32
        %select_n3A_682 = arith.select %and3A_679, %sub3A_681, %div3A_660 : i32
        %jit3A_683 = arith.constant 2 : i32
        %eq3A_684 = arith.constant 0 : i32
        %eq3A_685 = arith.cmpi eq, %jit3A_683, %eq3A_684 : i32
        %jit3A_686 = arith.constant 1 : i32
        %select_n3A_687 = arith.select %eq3A_685, %jit3A_686, %jit3A_683 : i32
        %rem3A_688 = arith.remsi %add3A_448, %select_n3A_687 : i32
        %ne3A_689 = arith.constant 0 : i32
        %ne3A_690 = arith.cmpi ne, %rem3A_688, %ne3A_689 : i32
        %lt3A_691 = arith.constant 0 : i32
        %lt3A_692 = arith.cmpi slt, %rem3A_688, %lt3A_691 : i32
        %lt3A_693 = arith.constant 0 : i32
        %lt3A_694 = arith.cmpi slt, %select_n3A_687, %lt3A_693 : i32
        %ne3A_695 = arith.xori %lt3A_692, %lt3A_694 : i1
        %and3A_696 = arith.andi %ne3A_695, %ne3A_690 : i1
        %add3A_697 = arith.addi %rem3A_688, %select_n3A_687 : i32
        %select_n3A_698 = arith.select %and3A_696, %add3A_697, %rem3A_688 : i32
        %mul3A_699 = arith.constant 64 : i32
        %mul3A_700 = arith.muli %select_n3A_698, %mul3A_699 : i32
        %dma_start3A_701 = tpu.memref_slice %arg5[%select_n3A_682, %mul3A_700] : memref<64x128xi32, #tpu.memory_space<vmem>> -> memref<1x56xi32, #tpu.memory_space<vmem>>
        %dma_start3A_702 = tpu.memref_squeeze %dma_start3A_701 : memref<1x56xi32, #tpu.memory_space<vmem>> -> memref<56xi32, #tpu.memory_space<vmem>>
        %dma_start3A_703 = arith.constant 0 : i32
        %dma_start3A_704 = arith.constant 0 : i32
        %dma_start3A_705 = tpu.memref_slice %arg2[%dma_start3A_703, %dma_start3A_704] : memref<100001x64xf32, #tpu.memory_space<hbm>> -> memref<100001x64xf32, #tpu.memory_space<hbm>>
        tpu.enqueue_indirect_dma source(%dma_start3A_705 : memref<100001x64xf32, #tpu.memory_space<hbm>>) target(%arg8 : memref<56x64xf32, #tpu.memory_space<vmem>>) offsets(%dma_start3A_702 : memref<56xi32, #tpu.memory_space<vmem>>) semaphore(%arg16 : memref<!tpu.dma_semaphore, #tpu.memory_space<semaphore_mem>>)
      } else {
      }
      %mul3A_454 = arith.constant 8 : i32
      %mul3A_455 = arith.muli %scan3A_130, %mul3A_454 : i32
      %add3A_456 = arith.constant 5 : i32
      %add3A_457 = arith.addi %mul3A_455, %add3A_456 : i32
      %jit3A_458 = arith.constant 2 : i32
      %div3A_459 = arith.divsi %add3A_457, %jit3A_458 : i32
      %sign3A_460 = arith.constant 0 : i32
      %sign3A_461 = arith.cmpi sgt, %add3A_457, %sign3A_460 : i32
      %sign3A_462 = arith.extui %sign3A_461 : i1 to i32
      %sign3A_463 = arith.constant 0 : i32
      %sign3A_464 = arith.cmpi slt, %add3A_457, %sign3A_463 : i32
      %sign3A_465 = arith.extui %sign3A_464 : i1 to i32
      %sign3A_466 = arith.subi %sign3A_462, %sign3A_465 : i32
      %sign3A_467 = arith.constant 0 : i32
      %sign3A_468 = arith.cmpi sgt, %jit3A_458, %sign3A_467 : i32
      %sign3A_469 = arith.extui %sign3A_468 : i1 to i32
      %sign3A_470 = arith.constant 0 : i32
      %sign3A_471 = arith.cmpi slt, %jit3A_458, %sign3A_470 : i32
      %sign3A_472 = arith.extui %sign3A_471 : i1 to i32
      %sign3A_473 = arith.subi %sign3A_469, %sign3A_472 : i32
      %ne3A_474 = arith.cmpi ne, %sign3A_466, %sign3A_473 : i32
      %rem3A_475 = arith.remsi %add3A_457, %jit3A_458 : i32
      %ne3A_476 = arith.constant 0 : i32
      %ne3A_477 = arith.cmpi ne, %rem3A_475, %ne3A_476 : i32
      %and3A_478 = arith.andi %ne3A_474, %ne3A_477 : i1
      %sub3A_479 = arith.constant 1 : i32
      %sub3A_480 = arith.subi %div3A_459, %sub3A_479 : i32
      %select_n3A_481 = arith.select %and3A_478, %sub3A_480, %div3A_459 : i32
      %jit3A_482 = arith.constant 2 : i32
      %eq3A_483 = arith.constant 0 : i32
      %eq3A_484 = arith.cmpi eq, %jit3A_482, %eq3A_483 : i32
      %jit3A_485 = arith.constant 1 : i32
      %select_n3A_486 = arith.select %eq3A_484, %jit3A_485, %jit3A_482 : i32
      %rem3A_487 = arith.remsi %add3A_457, %select_n3A_486 : i32
      %ne3A_488 = arith.constant 0 : i32
      %ne3A_489 = arith.cmpi ne, %rem3A_487, %ne3A_488 : i32
      %lt3A_490 = arith.constant 0 : i32
      %lt3A_491 = arith.cmpi slt, %rem3A_487, %lt3A_490 : i32
      %lt3A_492 = arith.constant 0 : i32
      %lt3A_493 = arith.cmpi slt, %select_n3A_486, %lt3A_492 : i32
      %ne3A_494 = arith.xori %lt3A_491, %lt3A_493 : i1
      %and3A_495 = arith.andi %ne3A_494, %ne3A_489 : i1
      %add3A_496 = arith.addi %rem3A_487, %select_n3A_486 : i32
      %select_n3A_497 = arith.select %and3A_495, %add3A_496, %rem3A_487 : i32
      %mul3A_498 = arith.constant 64 : i32
      %mul3A_499 = arith.muli %select_n3A_497, %mul3A_498 : i32
      %dma_wait3A_500 = tpu.memref_slice %arg5[%select_n3A_481, %mul3A_499] : memref<64x128xi32, #tpu.memory_space<vmem>> -> memref<1x56xi32, #tpu.memory_space<vmem>>
      %dma_wait3A_501 = tpu.memref_squeeze %dma_wait3A_500 : memref<1x56xi32, #tpu.memory_space<vmem>> -> memref<56xi32, #tpu.memory_space<vmem>>
      %dma_wait3A_502 = arith.constant 0 : i32
      %dma_wait3A_503 = arith.constant 0 : i32
      %dma_wait3A_504 = tpu.memref_slice %arg2[%dma_wait3A_502, %dma_wait3A_503] : memref<100001x64xf32, #tpu.memory_space<hbm>> -> memref<100001x64xf32, #tpu.memory_space<hbm>>
      tpu.wait_indirect_dma semaphore(%arg19 : memref<!tpu.dma_semaphore, #tpu.memory_space<semaphore_mem>>) src(%dma_wait3A_504 : memref<100001x64xf32, #tpu.memory_space<hbm>>) dst(%arg11 : memref<56x64xf32, #tpu.memory_space<vmem>>)
      %add3A_505 = arith.addi %mul3A_2, %add3A_457 : i32
      %dma_start3A_506 = arith.constant 0 : i32
      %dma_start3A_507 = arith.constant 0 : i32
      %dma_start3A_508 = tpu.memref_slice %arg4[%add3A_505, %dma_start3A_506, %dma_start3A_507] : memref<4096x64x64xf32, #tpu.memory_space<hbm>> -> memref<1x56x64xf32, #tpu.memory_space<hbm>>
      %dma_start3A_509 = tpu.memref_squeeze %dma_start3A_508 : memref<1x56x64xf32, #tpu.memory_space<hbm>> -> memref<56x64xf32, #tpu.memory_space<hbm>>
      %dma_start3A_510 = arith.constant 0 : i32
      %dma_start3A_511 = arith.constant 0 : i32
      %dma_start3A_512 = tpu.memref_slice %arg4[%add3A_505, %dma_start3A_510, %dma_start3A_511] : memref<4096x64x64xf32, #tpu.memory_space<hbm>> -> memref<1x56x64xf32, #tpu.memory_space<hbm>>
      %dma_start3A_513 = tpu.memref_squeeze %dma_start3A_512 : memref<1x56x64xf32, #tpu.memory_space<hbm>> -> memref<56x64xf32, #tpu.memory_space<hbm>>
      tpu.enqueue_dma source(%arg11 : memref<56x64xf32, #tpu.memory_space<vmem>>) target(%dma_start3A_513 : memref<56x64xf32, #tpu.memory_space<hbm>>) target_semaphore(%arg27 : memref<!tpu.dma_semaphore, #tpu.memory_space<semaphore_mem>>)
      %add3A_514 = arith.constant 6 : i32
      %add3A_515 = arith.addi %add3A_457, %add3A_514 : i32
      %lt3A_516 = arith.constant 128 : i32
      %lt3A_517 = arith.cmpi slt, %add3A_515, %lt3A_516 : i32
      %convert_element_type3A_518 = arith.extui %lt3A_517 : i1 to i32
      %cond3A_519 = arith.constant 0 : i32
      %cond3A_520 = arith.cmpi ne, %convert_element_type3A_518, %cond3A_519 : i32
      scf.if %cond3A_520 {
        %ge3A = arith.constant 8 : i32
        %ge3A_655 = arith.cmpi sge, %add3A_515, %ge3A : i32
        %convert_element_type3A_656 = arith.extui %ge3A_655 : i1 to i32
        %cond3A_657 = arith.constant 0 : i32
        %cond3A_658 = arith.cmpi ne, %convert_element_type3A_656, %cond3A_657 : i32
        scf.if %cond3A_658 {
          %sub3A_706 = arith.constant 8 : i32
          %sub3A_707 = arith.subi %add3A_515, %sub3A_706 : i32
          %add3A_708 = arith.addi %mul3A_2, %sub3A_707 : i32
          %dma_wait3A_709 = arith.constant 0 : i32
          %dma_wait3A_710 = arith.constant 0 : i32
          %dma_wait3A_711 = tpu.memref_slice %arg4[%add3A_708, %dma_wait3A_709, %dma_wait3A_710] : memref<4096x64x64xf32, #tpu.memory_space<hbm>> -> memref<1x56x64xf32, #tpu.memory_space<hbm>>
          %dma_wait3A_712 = tpu.memref_squeeze %dma_wait3A_711 : memref<1x56x64xf32, #tpu.memory_space<hbm>> -> memref<56x64xf32, #tpu.memory_space<hbm>>
          %dma_wait3A_713 = arith.constant 0 : i32
          %dma_wait3A_714 = arith.constant 0 : i32
          %dma_wait3A_715 = tpu.memref_slice %arg4[%add3A_708, %dma_wait3A_713, %dma_wait3A_714] : memref<4096x64x64xf32, #tpu.memory_space<hbm>> -> memref<1x56x64xf32, #tpu.memory_space<hbm>>
          %dma_wait3A_716 = tpu.memref_squeeze %dma_wait3A_715 : memref<1x56x64xf32, #tpu.memory_space<hbm>> -> memref<56x64xf32, #tpu.memory_space<hbm>>
          tpu.wait_dma2 semaphore(%arg25 : memref<!tpu.dma_semaphore, #tpu.memory_space<semaphore_mem>>) src(%arg9 : memref<56x64xf32, #tpu.memory_space<vmem>>) dst(%dma_wait3A_716 : memref<56x64xf32, #tpu.memory_space<hbm>>)
        } else {
        }
        %jit3A_659 = arith.constant 2 : i32
        %div3A_660 = arith.divsi %add3A_515, %jit3A_659 : i32
        %sign3A_661 = arith.constant 0 : i32
        %sign3A_662 = arith.cmpi sgt, %add3A_515, %sign3A_661 : i32
        %sign3A_663 = arith.extui %sign3A_662 : i1 to i32
        %sign3A_664 = arith.constant 0 : i32
        %sign3A_665 = arith.cmpi slt, %add3A_515, %sign3A_664 : i32
        %sign3A_666 = arith.extui %sign3A_665 : i1 to i32
        %sign3A_667 = arith.subi %sign3A_663, %sign3A_666 : i32
        %sign3A_668 = arith.constant 0 : i32
        %sign3A_669 = arith.cmpi sgt, %jit3A_659, %sign3A_668 : i32
        %sign3A_670 = arith.extui %sign3A_669 : i1 to i32
        %sign3A_671 = arith.constant 0 : i32
        %sign3A_672 = arith.cmpi slt, %jit3A_659, %sign3A_671 : i32
        %sign3A_673 = arith.extui %sign3A_672 : i1 to i32
        %sign3A_674 = arith.subi %sign3A_670, %sign3A_673 : i32
        %ne3A_675 = arith.cmpi ne, %sign3A_667, %sign3A_674 : i32
        %rem3A_676 = arith.remsi %add3A_515, %jit3A_659 : i32
        %ne3A_677 = arith.constant 0 : i32
        %ne3A_678 = arith.cmpi ne, %rem3A_676, %ne3A_677 : i32
        %and3A_679 = arith.andi %ne3A_675, %ne3A_678 : i1
        %sub3A_680 = arith.constant 1 : i32
        %sub3A_681 = arith.subi %div3A_660, %sub3A_680 : i32
        %select_n3A_682 = arith.select %and3A_679, %sub3A_681, %div3A_660 : i32
        %jit3A_683 = arith.constant 2 : i32
        %eq3A_684 = arith.constant 0 : i32
        %eq3A_685 = arith.cmpi eq, %jit3A_683, %eq3A_684 : i32
        %jit3A_686 = arith.constant 1 : i32
        %select_n3A_687 = arith.select %eq3A_685, %jit3A_686, %jit3A_683 : i32
        %rem3A_688 = arith.remsi %add3A_515, %select_n3A_687 : i32
        %ne3A_689 = arith.constant 0 : i32
        %ne3A_690 = arith.cmpi ne, %rem3A_688, %ne3A_689 : i32
        %lt3A_691 = arith.constant 0 : i32
        %lt3A_692 = arith.cmpi slt, %rem3A_688, %lt3A_691 : i32
        %lt3A_693 = arith.constant 0 : i32
        %lt3A_694 = arith.cmpi slt, %select_n3A_687, %lt3A_693 : i32
        %ne3A_695 = arith.xori %lt3A_692, %lt3A_694 : i1
        %and3A_696 = arith.andi %ne3A_695, %ne3A_690 : i1
        %add3A_697 = arith.addi %rem3A_688, %select_n3A_687 : i32
        %select_n3A_698 = arith.select %and3A_696, %add3A_697, %rem3A_688 : i32
        %mul3A_699 = arith.constant 64 : i32
        %mul3A_700 = arith.muli %select_n3A_698, %mul3A_699 : i32
        %dma_start3A_701 = tpu.memref_slice %arg5[%select_n3A_682, %mul3A_700] : memref<64x128xi32, #tpu.memory_space<vmem>> -> memref<1x56xi32, #tpu.memory_space<vmem>>
        %dma_start3A_702 = tpu.memref_squeeze %dma_start3A_701 : memref<1x56xi32, #tpu.memory_space<vmem>> -> memref<56xi32, #tpu.memory_space<vmem>>
        %dma_start3A_703 = arith.constant 0 : i32
        %dma_start3A_704 = arith.constant 0 : i32
        %dma_start3A_705 = tpu.memref_slice %arg2[%dma_start3A_703, %dma_start3A_704] : memref<100001x64xf32, #tpu.memory_space<hbm>> -> memref<100001x64xf32, #tpu.memory_space<hbm>>
        tpu.enqueue_indirect_dma source(%dma_start3A_705 : memref<100001x64xf32, #tpu.memory_space<hbm>>) target(%arg9 : memref<56x64xf32, #tpu.memory_space<vmem>>) offsets(%dma_start3A_702 : memref<56xi32, #tpu.memory_space<vmem>>) semaphore(%arg17 : memref<!tpu.dma_semaphore, #tpu.memory_space<semaphore_mem>>)
      } else {
      }
      %mul3A_521 = arith.constant 8 : i32
      %mul3A_522 = arith.muli %scan3A_130, %mul3A_521 : i32
      %add3A_523 = arith.constant 6 : i32
      %add3A_524 = arith.addi %mul3A_522, %add3A_523 : i32
      %jit3A_525 = arith.constant 2 : i32
      %div3A_526 = arith.divsi %add3A_524, %jit3A_525 : i32
      %sign3A_527 = arith.constant 0 : i32
      %sign3A_528 = arith.cmpi sgt, %add3A_524, %sign3A_527 : i32
      %sign3A_529 = arith.extui %sign3A_528 : i1 to i32
      %sign3A_530 = arith.constant 0 : i32
      %sign3A_531 = arith.cmpi slt, %add3A_524, %sign3A_530 : i32
      %sign3A_532 = arith.extui %sign3A_531 : i1 to i32
      %sign3A_533 = arith.subi %sign3A_529, %sign3A_532 : i32
      %sign3A_534 = arith.constant 0 : i32
      %sign3A_535 = arith.cmpi sgt, %jit3A_525, %sign3A_534 : i32
      %sign3A_536 = arith.extui %sign3A_535 : i1 to i32
      %sign3A_537 = arith.constant 0 : i32
      %sign3A_538 = arith.cmpi slt, %jit3A_525, %sign3A_537 : i32
      %sign3A_539 = arith.extui %sign3A_538 : i1 to i32
      %sign3A_540 = arith.subi %sign3A_536, %sign3A_539 : i32
      %ne3A_541 = arith.cmpi ne, %sign3A_533, %sign3A_540 : i32
      %rem3A_542 = arith.remsi %add3A_524, %jit3A_525 : i32
      %ne3A_543 = arith.constant 0 : i32
      %ne3A_544 = arith.cmpi ne, %rem3A_542, %ne3A_543 : i32
      %and3A_545 = arith.andi %ne3A_541, %ne3A_544 : i1
      %sub3A_546 = arith.constant 1 : i32
      %sub3A_547 = arith.subi %div3A_526, %sub3A_546 : i32
      %select_n3A_548 = arith.select %and3A_545, %sub3A_547, %div3A_526 : i32
      %jit3A_549 = arith.constant 2 : i32
      %eq3A_550 = arith.constant 0 : i32
      %eq3A_551 = arith.cmpi eq, %jit3A_549, %eq3A_550 : i32
      %jit3A_552 = arith.constant 1 : i32
      %select_n3A_553 = arith.select %eq3A_551, %jit3A_552, %jit3A_549 : i32
      %rem3A_554 = arith.remsi %add3A_524, %select_n3A_553 : i32
      %ne3A_555 = arith.constant 0 : i32
      %ne3A_556 = arith.cmpi ne, %rem3A_554, %ne3A_555 : i32
      %lt3A_557 = arith.constant 0 : i32
      %lt3A_558 = arith.cmpi slt, %rem3A_554, %lt3A_557 : i32
      %lt3A_559 = arith.constant 0 : i32
      %lt3A_560 = arith.cmpi slt, %select_n3A_553, %lt3A_559 : i32
      %ne3A_561 = arith.xori %lt3A_558, %lt3A_560 : i1
      %and3A_562 = arith.andi %ne3A_561, %ne3A_556 : i1
      %add3A_563 = arith.addi %rem3A_554, %select_n3A_553 : i32
      %select_n3A_564 = arith.select %and3A_562, %add3A_563, %rem3A_554 : i32
      %mul3A_565 = arith.constant 64 : i32
      %mul3A_566 = arith.muli %select_n3A_564, %mul3A_565 : i32
      %dma_wait3A_567 = tpu.memref_slice %arg5[%select_n3A_548, %mul3A_566] : memref<64x128xi32, #tpu.memory_space<vmem>> -> memref<1x56xi32, #tpu.memory_space<vmem>>
      %dma_wait3A_568 = tpu.memref_squeeze %dma_wait3A_567 : memref<1x56xi32, #tpu.memory_space<vmem>> -> memref<56xi32, #tpu.memory_space<vmem>>
      %dma_wait3A_569 = arith.constant 0 : i32
      %dma_wait3A_570 = arith.constant 0 : i32
      %dma_wait3A_571 = tpu.memref_slice %arg2[%dma_wait3A_569, %dma_wait3A_570] : memref<100001x64xf32, #tpu.memory_space<hbm>> -> memref<100001x64xf32, #tpu.memory_space<hbm>>
      tpu.wait_indirect_dma semaphore(%arg20 : memref<!tpu.dma_semaphore, #tpu.memory_space<semaphore_mem>>) src(%dma_wait3A_571 : memref<100001x64xf32, #tpu.memory_space<hbm>>) dst(%arg12 : memref<56x64xf32, #tpu.memory_space<vmem>>)
      %add3A_572 = arith.addi %mul3A_2, %add3A_524 : i32
      %dma_start3A_573 = arith.constant 0 : i32
      %dma_start3A_574 = arith.constant 0 : i32
      %dma_start3A_575 = tpu.memref_slice %arg4[%add3A_572, %dma_start3A_573, %dma_start3A_574] : memref<4096x64x64xf32, #tpu.memory_space<hbm>> -> memref<1x56x64xf32, #tpu.memory_space<hbm>>
      %dma_start3A_576 = tpu.memref_squeeze %dma_start3A_575 : memref<1x56x64xf32, #tpu.memory_space<hbm>> -> memref<56x64xf32, #tpu.memory_space<hbm>>
      %dma_start3A_577 = arith.constant 0 : i32
      %dma_start3A_578 = arith.constant 0 : i32
      %dma_start3A_579 = tpu.memref_slice %arg4[%add3A_572, %dma_start3A_577, %dma_start3A_578] : memref<4096x64x64xf32, #tpu.memory_space<hbm>> -> memref<1x56x64xf32, #tpu.memory_space<hbm>>
      %dma_start3A_580 = tpu.memref_squeeze %dma_start3A_579 : memref<1x56x64xf32, #tpu.memory_space<hbm>> -> memref<56x64xf32, #tpu.memory_space<hbm>>
      tpu.enqueue_dma source(%arg12 : memref<56x64xf32, #tpu.memory_space<vmem>>) target(%dma_start3A_580 : memref<56x64xf32, #tpu.memory_space<hbm>>) target_semaphore(%arg28 : memref<!tpu.dma_semaphore, #tpu.memory_space<semaphore_mem>>)
      %add3A_581 = arith.constant 6 : i32
      %add3A_582 = arith.addi %add3A_524, %add3A_581 : i32
      %lt3A_583 = arith.constant 128 : i32
      %lt3A_584 = arith.cmpi slt, %add3A_582, %lt3A_583 : i32
      %convert_element_type3A_585 = arith.extui %lt3A_584 : i1 to i32
      %cond3A_586 = arith.constant 0 : i32
      %cond3A_587 = arith.cmpi ne, %convert_element_type3A_585, %cond3A_586 : i32
      scf.if %cond3A_587 {
        %ge3A = arith.constant 8 : i32
        %ge3A_655 = arith.cmpi sge, %add3A_582, %ge3A : i32
        %convert_element_type3A_656 = arith.extui %ge3A_655 : i1 to i32
        %cond3A_657 = arith.constant 0 : i32
        %cond3A_658 = arith.cmpi ne, %convert_element_type3A_656, %cond3A_657 : i32
        scf.if %cond3A_658 {
          %sub3A_706 = arith.constant 8 : i32
          %sub3A_707 = arith.subi %add3A_582, %sub3A_706 : i32
          %add3A_708 = arith.addi %mul3A_2, %sub3A_707 : i32
          %dma_wait3A_709 = arith.constant 0 : i32
          %dma_wait3A_710 = arith.constant 0 : i32
          %dma_wait3A_711 = tpu.memref_slice %arg4[%add3A_708, %dma_wait3A_709, %dma_wait3A_710] : memref<4096x64x64xf32, #tpu.memory_space<hbm>> -> memref<1x56x64xf32, #tpu.memory_space<hbm>>
          %dma_wait3A_712 = tpu.memref_squeeze %dma_wait3A_711 : memref<1x56x64xf32, #tpu.memory_space<hbm>> -> memref<56x64xf32, #tpu.memory_space<hbm>>
          %dma_wait3A_713 = arith.constant 0 : i32
          %dma_wait3A_714 = arith.constant 0 : i32
          %dma_wait3A_715 = tpu.memref_slice %arg4[%add3A_708, %dma_wait3A_713, %dma_wait3A_714] : memref<4096x64x64xf32, #tpu.memory_space<hbm>> -> memref<1x56x64xf32, #tpu.memory_space<hbm>>
          %dma_wait3A_716 = tpu.memref_squeeze %dma_wait3A_715 : memref<1x56x64xf32, #tpu.memory_space<hbm>> -> memref<56x64xf32, #tpu.memory_space<hbm>>
          tpu.wait_dma2 semaphore(%arg26 : memref<!tpu.dma_semaphore, #tpu.memory_space<semaphore_mem>>) src(%arg10 : memref<56x64xf32, #tpu.memory_space<vmem>>) dst(%dma_wait3A_716 : memref<56x64xf32, #tpu.memory_space<hbm>>)
        } else {
        }
        %jit3A_659 = arith.constant 2 : i32
        %div3A_660 = arith.divsi %add3A_582, %jit3A_659 : i32
        %sign3A_661 = arith.constant 0 : i32
        %sign3A_662 = arith.cmpi sgt, %add3A_582, %sign3A_661 : i32
        %sign3A_663 = arith.extui %sign3A_662 : i1 to i32
        %sign3A_664 = arith.constant 0 : i32
        %sign3A_665 = arith.cmpi slt, %add3A_582, %sign3A_664 : i32
        %sign3A_666 = arith.extui %sign3A_665 : i1 to i32
        %sign3A_667 = arith.subi %sign3A_663, %sign3A_666 : i32
        %sign3A_668 = arith.constant 0 : i32
        %sign3A_669 = arith.cmpi sgt, %jit3A_659, %sign3A_668 : i32
        %sign3A_670 = arith.extui %sign3A_669 : i1 to i32
        %sign3A_671 = arith.constant 0 : i32
        %sign3A_672 = arith.cmpi slt, %jit3A_659, %sign3A_671 : i32
        %sign3A_673 = arith.extui %sign3A_672 : i1 to i32
        %sign3A_674 = arith.subi %sign3A_670, %sign3A_673 : i32
        %ne3A_675 = arith.cmpi ne, %sign3A_667, %sign3A_674 : i32
        %rem3A_676 = arith.remsi %add3A_582, %jit3A_659 : i32
        %ne3A_677 = arith.constant 0 : i32
        %ne3A_678 = arith.cmpi ne, %rem3A_676, %ne3A_677 : i32
        %and3A_679 = arith.andi %ne3A_675, %ne3A_678 : i1
        %sub3A_680 = arith.constant 1 : i32
        %sub3A_681 = arith.subi %div3A_660, %sub3A_680 : i32
        %select_n3A_682 = arith.select %and3A_679, %sub3A_681, %div3A_660 : i32
        %jit3A_683 = arith.constant 2 : i32
        %eq3A_684 = arith.constant 0 : i32
        %eq3A_685 = arith.cmpi eq, %jit3A_683, %eq3A_684 : i32
        %jit3A_686 = arith.constant 1 : i32
        %select_n3A_687 = arith.select %eq3A_685, %jit3A_686, %jit3A_683 : i32
        %rem3A_688 = arith.remsi %add3A_582, %select_n3A_687 : i32
        %ne3A_689 = arith.constant 0 : i32
        %ne3A_690 = arith.cmpi ne, %rem3A_688, %ne3A_689 : i32
        %lt3A_691 = arith.constant 0 : i32
        %lt3A_692 = arith.cmpi slt, %rem3A_688, %lt3A_691 : i32
        %lt3A_693 = arith.constant 0 : i32
        %lt3A_694 = arith.cmpi slt, %select_n3A_687, %lt3A_693 : i32
        %ne3A_695 = arith.xori %lt3A_692, %lt3A_694 : i1
        %and3A_696 = arith.andi %ne3A_695, %ne3A_690 : i1
        %add3A_697 = arith.addi %rem3A_688, %select_n3A_687 : i32
        %select_n3A_698 = arith.select %and3A_696, %add3A_697, %rem3A_688 : i32
        %mul3A_699 = arith.constant 64 : i32
        %mul3A_700 = arith.muli %select_n3A_698, %mul3A_699 : i32
        %dma_start3A_701 = tpu.memref_slice %arg5[%select_n3A_682, %mul3A_700] : memref<64x128xi32, #tpu.memory_space<vmem>> -> memref<1x56xi32, #tpu.memory_space<vmem>>
        %dma_start3A_702 = tpu.memref_squeeze %dma_start3A_701 : memref<1x56xi32, #tpu.memory_space<vmem>> -> memref<56xi32, #tpu.memory_space<vmem>>
        %dma_start3A_703 = arith.constant 0 : i32
        %dma_start3A_704 = arith.constant 0 : i32
        %dma_start3A_705 = tpu.memref_slice %arg2[%dma_start3A_703, %dma_start3A_704] : memref<100001x64xf32, #tpu.memory_space<hbm>> -> memref<100001x64xf32, #tpu.memory_space<hbm>>
        tpu.enqueue_indirect_dma source(%dma_start3A_705 : memref<100001x64xf32, #tpu.memory_space<hbm>>) target(%arg10 : memref<56x64xf32, #tpu.memory_space<vmem>>) offsets(%dma_start3A_702 : memref<56xi32, #tpu.memory_space<vmem>>) semaphore(%arg18 : memref<!tpu.dma_semaphore, #tpu.memory_space<semaphore_mem>>)
      } else {
      }
      %mul3A_588 = arith.constant 8 : i32
      %mul3A_589 = arith.muli %scan3A_130, %mul3A_588 : i32
      %add3A_590 = arith.constant 7 : i32
      %add3A_591 = arith.addi %mul3A_589, %add3A_590 : i32
      %jit3A_592 = arith.constant 2 : i32
      %div3A_593 = arith.divsi %add3A_591, %jit3A_592 : i32
      %sign3A_594 = arith.constant 0 : i32
      %sign3A_595 = arith.cmpi sgt, %add3A_591, %sign3A_594 : i32
      %sign3A_596 = arith.extui %sign3A_595 : i1 to i32
      %sign3A_597 = arith.constant 0 : i32
      %sign3A_598 = arith.cmpi slt, %add3A_591, %sign3A_597 : i32
      %sign3A_599 = arith.extui %sign3A_598 : i1 to i32
      %sign3A_600 = arith.subi %sign3A_596, %sign3A_599 : i32
      %sign3A_601 = arith.constant 0 : i32
      %sign3A_602 = arith.cmpi sgt, %jit3A_592, %sign3A_601 : i32
      %sign3A_603 = arith.extui %sign3A_602 : i1 to i32
      %sign3A_604 = arith.constant 0 : i32
      %sign3A_605 = arith.cmpi slt, %jit3A_592, %sign3A_604 : i32
      %sign3A_606 = arith.extui %sign3A_605 : i1 to i32
      %sign3A_607 = arith.subi %sign3A_603, %sign3A_606 : i32
      %ne3A_608 = arith.cmpi ne, %sign3A_600, %sign3A_607 : i32
      %rem3A_609 = arith.remsi %add3A_591, %jit3A_592 : i32
      %ne3A_610 = arith.constant 0 : i32
      %ne3A_611 = arith.cmpi ne, %rem3A_609, %ne3A_610 : i32
      %and3A_612 = arith.andi %ne3A_608, %ne3A_611 : i1
      %sub3A_613 = arith.constant 1 : i32
      %sub3A_614 = arith.subi %div3A_593, %sub3A_613 : i32
      %select_n3A_615 = arith.select %and3A_612, %sub3A_614, %div3A_593 : i32
      %jit3A_616 = arith.constant 2 : i32
      %eq3A_617 = arith.constant 0 : i32
      %eq3A_618 = arith.cmpi eq, %jit3A_616, %eq3A_617 : i32
      %jit3A_619 = arith.constant 1 : i32
      %select_n3A_620 = arith.select %eq3A_618, %jit3A_619, %jit3A_616 : i32
      %rem3A_621 = arith.remsi %add3A_591, %select_n3A_620 : i32
      %ne3A_622 = arith.constant 0 : i32
      %ne3A_623 = arith.cmpi ne, %rem3A_621, %ne3A_622 : i32
      %lt3A_624 = arith.constant 0 : i32
      %lt3A_625 = arith.cmpi slt, %rem3A_621, %lt3A_624 : i32
      %lt3A_626 = arith.constant 0 : i32
      %lt3A_627 = arith.cmpi slt, %select_n3A_620, %lt3A_626 : i32
      %ne3A_628 = arith.xori %lt3A_625, %lt3A_627 : i1
      %and3A_629 = arith.andi %ne3A_628, %ne3A_623 : i1
      %add3A_630 = arith.addi %rem3A_621, %select_n3A_620 : i32
      %select_n3A_631 = arith.select %and3A_629, %add3A_630, %rem3A_621 : i32
      %mul3A_632 = arith.constant 64 : i32
      %mul3A_633 = arith.muli %select_n3A_631, %mul3A_632 : i32
      %dma_wait3A_634 = tpu.memref_slice %arg5[%select_n3A_615, %mul3A_633] : memref<64x128xi32, #tpu.memory_space<vmem>> -> memref<1x56xi32, #tpu.memory_space<vmem>>
      %dma_wait3A_635 = tpu.memref_squeeze %dma_wait3A_634 : memref<1x56xi32, #tpu.memory_space<vmem>> -> memref<56xi32, #tpu.memory_space<vmem>>
      %dma_wait3A_636 = arith.constant 0 : i32
      %dma_wait3A_637 = arith.constant 0 : i32
      %dma_wait3A_638 = tpu.memref_slice %arg2[%dma_wait3A_636, %dma_wait3A_637] : memref<100001x64xf32, #tpu.memory_space<hbm>> -> memref<100001x64xf32, #tpu.memory_space<hbm>>
      tpu.wait_indirect_dma semaphore(%arg21 : memref<!tpu.dma_semaphore, #tpu.memory_space<semaphore_mem>>) src(%dma_wait3A_638 : memref<100001x64xf32, #tpu.memory_space<hbm>>) dst(%arg13 : memref<56x64xf32, #tpu.memory_space<vmem>>)
      %add3A_639 = arith.addi %mul3A_2, %add3A_591 : i32
      %dma_start3A_640 = arith.constant 0 : i32
      %dma_start3A_641 = arith.constant 0 : i32
      %dma_start3A_642 = tpu.memref_slice %arg4[%add3A_639, %dma_start3A_640, %dma_start3A_641] : memref<4096x64x64xf32, #tpu.memory_space<hbm>> -> memref<1x56x64xf32, #tpu.memory_space<hbm>>
      %dma_start3A_643 = tpu.memref_squeeze %dma_start3A_642 : memref<1x56x64xf32, #tpu.memory_space<hbm>> -> memref<56x64xf32, #tpu.memory_space<hbm>>
      %dma_start3A_644 = arith.constant 0 : i32
      %dma_start3A_645 = arith.constant 0 : i32
      %dma_start3A_646 = tpu.memref_slice %arg4[%add3A_639, %dma_start3A_644, %dma_start3A_645] : memref<4096x64x64xf32, #tpu.memory_space<hbm>> -> memref<1x56x64xf32, #tpu.memory_space<hbm>>
      %dma_start3A_647 = tpu.memref_squeeze %dma_start3A_646 : memref<1x56x64xf32, #tpu.memory_space<hbm>> -> memref<56x64xf32, #tpu.memory_space<hbm>>
      tpu.enqueue_dma source(%arg13 : memref<56x64xf32, #tpu.memory_space<vmem>>) target(%dma_start3A_647 : memref<56x64xf32, #tpu.memory_space<hbm>>) target_semaphore(%arg29 : memref<!tpu.dma_semaphore, #tpu.memory_space<semaphore_mem>>)
      %add3A_648 = arith.constant 6 : i32
      %add3A_649 = arith.addi %add3A_591, %add3A_648 : i32
      %lt3A_650 = arith.constant 128 : i32
      %lt3A_651 = arith.cmpi slt, %add3A_649, %lt3A_650 : i32
      %convert_element_type3A_652 = arith.extui %lt3A_651 : i1 to i32
      %cond3A_653 = arith.constant 0 : i32
      %cond3A_654 = arith.cmpi ne, %convert_element_type3A_652, %cond3A_653 : i32
      scf.if %cond3A_654 {
        %ge3A = arith.constant 8 : i32
        %ge3A_655 = arith.cmpi sge, %add3A_649, %ge3A : i32
        %convert_element_type3A_656 = arith.extui %ge3A_655 : i1 to i32
        %cond3A_657 = arith.constant 0 : i32
        %cond3A_658 = arith.cmpi ne, %convert_element_type3A_656, %cond3A_657 : i32
        scf.if %cond3A_658 {
          %sub3A_706 = arith.constant 8 : i32
          %sub3A_707 = arith.subi %add3A_649, %sub3A_706 : i32
          %add3A_708 = arith.addi %mul3A_2, %sub3A_707 : i32
          %dma_wait3A_709 = arith.constant 0 : i32
          %dma_wait3A_710 = arith.constant 0 : i32
          %dma_wait3A_711 = tpu.memref_slice %arg4[%add3A_708, %dma_wait3A_709, %dma_wait3A_710] : memref<4096x64x64xf32, #tpu.memory_space<hbm>> -> memref<1x56x64xf32, #tpu.memory_space<hbm>>
          %dma_wait3A_712 = tpu.memref_squeeze %dma_wait3A_711 : memref<1x56x64xf32, #tpu.memory_space<hbm>> -> memref<56x64xf32, #tpu.memory_space<hbm>>
          %dma_wait3A_713 = arith.constant 0 : i32
          %dma_wait3A_714 = arith.constant 0 : i32
          %dma_wait3A_715 = tpu.memref_slice %arg4[%add3A_708, %dma_wait3A_713, %dma_wait3A_714] : memref<4096x64x64xf32, #tpu.memory_space<hbm>> -> memref<1x56x64xf32, #tpu.memory_space<hbm>>
          %dma_wait3A_716 = tpu.memref_squeeze %dma_wait3A_715 : memref<1x56x64xf32, #tpu.memory_space<hbm>> -> memref<56x64xf32, #tpu.memory_space<hbm>>
          tpu.wait_dma2 semaphore(%arg27 : memref<!tpu.dma_semaphore, #tpu.memory_space<semaphore_mem>>) src(%arg11 : memref<56x64xf32, #tpu.memory_space<vmem>>) dst(%dma_wait3A_716 : memref<56x64xf32, #tpu.memory_space<hbm>>)
        } else {
        }
        %jit3A_659 = arith.constant 2 : i32
        %div3A_660 = arith.divsi %add3A_649, %jit3A_659 : i32
        %sign3A_661 = arith.constant 0 : i32
        %sign3A_662 = arith.cmpi sgt, %add3A_649, %sign3A_661 : i32
        %sign3A_663 = arith.extui %sign3A_662 : i1 to i32
        %sign3A_664 = arith.constant 0 : i32
        %sign3A_665 = arith.cmpi slt, %add3A_649, %sign3A_664 : i32
        %sign3A_666 = arith.extui %sign3A_665 : i1 to i32
        %sign3A_667 = arith.subi %sign3A_663, %sign3A_666 : i32
        %sign3A_668 = arith.constant 0 : i32
        %sign3A_669 = arith.cmpi sgt, %jit3A_659, %sign3A_668 : i32
        %sign3A_670 = arith.extui %sign3A_669 : i1 to i32
        %sign3A_671 = arith.constant 0 : i32
        %sign3A_672 = arith.cmpi slt, %jit3A_659, %sign3A_671 : i32
        %sign3A_673 = arith.extui %sign3A_672 : i1 to i32
        %sign3A_674 = arith.subi %sign3A_670, %sign3A_673 : i32
        %ne3A_675 = arith.cmpi ne, %sign3A_667, %sign3A_674 : i32
        %rem3A_676 = arith.remsi %add3A_649, %jit3A_659 : i32
        %ne3A_677 = arith.constant 0 : i32
        %ne3A_678 = arith.cmpi ne, %rem3A_676, %ne3A_677 : i32
        %and3A_679 = arith.andi %ne3A_675, %ne3A_678 : i1
        %sub3A_680 = arith.constant 1 : i32
        %sub3A_681 = arith.subi %div3A_660, %sub3A_680 : i32
        %select_n3A_682 = arith.select %and3A_679, %sub3A_681, %div3A_660 : i32
        %jit3A_683 = arith.constant 2 : i32
        %eq3A_684 = arith.constant 0 : i32
        %eq3A_685 = arith.cmpi eq, %jit3A_683, %eq3A_684 : i32
        %jit3A_686 = arith.constant 1 : i32
        %select_n3A_687 = arith.select %eq3A_685, %jit3A_686, %jit3A_683 : i32
        %rem3A_688 = arith.remsi %add3A_649, %select_n3A_687 : i32
        %ne3A_689 = arith.constant 0 : i32
        %ne3A_690 = arith.cmpi ne, %rem3A_688, %ne3A_689 : i32
        %lt3A_691 = arith.constant 0 : i32
        %lt3A_692 = arith.cmpi slt, %rem3A_688, %lt3A_691 : i32
        %lt3A_693 = arith.constant 0 : i32
        %lt3A_694 = arith.cmpi slt, %select_n3A_687, %lt3A_693 : i32
        %ne3A_695 = arith.xori %lt3A_692, %lt3A_694 : i1
        %and3A_696 = arith.andi %ne3A_695, %ne3A_690 : i1
        %add3A_697 = arith.addi %rem3A_688, %select_n3A_687 : i32
        %select_n3A_698 = arith.select %and3A_696, %add3A_697, %rem3A_688 : i32
        %mul3A_699 = arith.constant 64 : i32
        %mul3A_700 = arith.muli %select_n3A_698, %mul3A_699 : i32
        %dma_start3A_701 = tpu.memref_slice %arg5[%select_n3A_682, %mul3A_700] : memref<64x128xi32, #tpu.memory_space<vmem>> -> memref<1x56xi32, #tpu.memory_space<vmem>>
        %dma_start3A_702 = tpu.memref_squeeze %dma_start3A_701 : memref<1x56xi32, #tpu.memory_space<vmem>> -> memref<56xi32, #tpu.memory_space<vmem>>
        %dma_start3A_703 = arith.constant 0 : i32
        %dma_start3A_704 = arith.constant 0 : i32
        %dma_start3A_705 = tpu.memref_slice %arg2[%dma_start3A_703, %dma_start3A_704] : memref<100001x64xf32, #tpu.memory_space<hbm>> -> memref<100001x64xf32, #tpu.memory_space<hbm>>
        tpu.enqueue_indirect_dma source(%dma_start3A_705 : memref<100001x64xf32, #tpu.memory_space<hbm>>) target(%arg11 : memref<56x64xf32, #tpu.memory_space<vmem>>) offsets(%dma_start3A_702 : memref<56xi32, #tpu.memory_space<vmem>>) semaphore(%arg19 : memref<!tpu.dma_semaphore, #tpu.memory_space<semaphore_mem>>)
      } else {
      }
    }
    %scan3A_50 = arith.constant 16 : i32
    %add3A_51 = arith.constant 120 : i32
    %add3A_52 = arith.addi %mul3A_2, %add3A_51 : i32
    %dma_wait3A = arith.constant 0 : i32
    %dma_wait3A_53 = arith.constant 0 : i32
    %dma_wait3A_54 = tpu.memref_slice %arg4[%add3A_52, %dma_wait3A, %dma_wait3A_53] : memref<4096x64x64xf32, #tpu.memory_space<hbm>> -> memref<1x56x64xf32, #tpu.memory_space<hbm>>
    %dma_wait3A_55 = tpu.memref_squeeze %dma_wait3A_54 : memref<1x56x64xf32, #tpu.memory_space<hbm>> -> memref<56x64xf32, #tpu.memory_space<hbm>>
    %dma_wait3A_56 = arith.constant 0 : i32
    %dma_wait3A_57 = arith.constant 0 : i32
    %dma_wait3A_58 = tpu.memref_slice %arg4[%add3A_52, %dma_wait3A_56, %dma_wait3A_57] : memref<4096x64x64xf32, #tpu.memory_space<hbm>> -> memref<1x56x64xf32, #tpu.memory_space<hbm>>
    %dma_wait3A_59 = tpu.memref_squeeze %dma_wait3A_58 : memref<1x56x64xf32, #tpu.memory_space<hbm>> -> memref<56x64xf32, #tpu.memory_space<hbm>>
    tpu.wait_dma2 semaphore(%arg22 : memref<!tpu.dma_semaphore, #tpu.memory_space<semaphore_mem>>) src(%arg6 : memref<56x64xf32, #tpu.memory_space<vmem>>) dst(%dma_wait3A_59 : memref<56x64xf32, #tpu.memory_space<hbm>>)
    %add3A_60 = arith.constant 121 : i32
    %add3A_61 = arith.addi %mul3A_2, %add3A_60 : i32
    %dma_wait3A_62 = arith.constant 0 : i32
    %dma_wait3A_63 = arith.constant 0 : i32
    %dma_wait3A_64 = tpu.memref_slice %arg4[%add3A_61, %dma_wait3A_62, %dma_wait3A_63] : memref<4096x64x64xf32, #tpu.memory_space<hbm>> -> memref<1x56x64xf32, #tpu.memory_space<hbm>>
    %dma_wait3A_65 = tpu.memref_squeeze %dma_wait3A_64 : memref<1x56x64xf32, #tpu.memory_space<hbm>> -> memref<56x64xf32, #tpu.memory_space<hbm>>
    %dma_wait3A_66 = arith.constant 0 : i32
    %dma_wait3A_67 = arith.constant 0 : i32
    %dma_wait3A_68 = tpu.memref_slice %arg4[%add3A_61, %dma_wait3A_66, %dma_wait3A_67] : memref<4096x64x64xf32, #tpu.memory_space<hbm>> -> memref<1x56x64xf32, #tpu.memory_space<hbm>>
    %dma_wait3A_69 = tpu.memref_squeeze %dma_wait3A_68 : memref<1x56x64xf32, #tpu.memory_space<hbm>> -> memref<56x64xf32, #tpu.memory_space<hbm>>
    tpu.wait_dma2 semaphore(%arg23 : memref<!tpu.dma_semaphore, #tpu.memory_space<semaphore_mem>>) src(%arg7 : memref<56x64xf32, #tpu.memory_space<vmem>>) dst(%dma_wait3A_69 : memref<56x64xf32, #tpu.memory_space<hbm>>)
    %add3A_70 = arith.constant 122 : i32
    %add3A_71 = arith.addi %mul3A_2, %add3A_70 : i32
    %dma_wait3A_72 = arith.constant 0 : i32
    %dma_wait3A_73 = arith.constant 0 : i32
    %dma_wait3A_74 = tpu.memref_slice %arg4[%add3A_71, %dma_wait3A_72, %dma_wait3A_73] : memref<4096x64x64xf32, #tpu.memory_space<hbm>> -> memref<1x56x64xf32, #tpu.memory_space<hbm>>
    %dma_wait3A_75 = tpu.memref_squeeze %dma_wait3A_74 : memref<1x56x64xf32, #tpu.memory_space<hbm>> -> memref<56x64xf32, #tpu.memory_space<hbm>>
    %dma_wait3A_76 = arith.constant 0 : i32
    %dma_wait3A_77 = arith.constant 0 : i32
    %dma_wait3A_78 = tpu.memref_slice %arg4[%add3A_71, %dma_wait3A_76, %dma_wait3A_77] : memref<4096x64x64xf32, #tpu.memory_space<hbm>> -> memref<1x56x64xf32, #tpu.memory_space<hbm>>
    %dma_wait3A_79 = tpu.memref_squeeze %dma_wait3A_78 : memref<1x56x64xf32, #tpu.memory_space<hbm>> -> memref<56x64xf32, #tpu.memory_space<hbm>>
    tpu.wait_dma2 semaphore(%arg24 : memref<!tpu.dma_semaphore, #tpu.memory_space<semaphore_mem>>) src(%arg8 : memref<56x64xf32, #tpu.memory_space<vmem>>) dst(%dma_wait3A_79 : memref<56x64xf32, #tpu.memory_space<hbm>>)
    %add3A_80 = arith.constant 123 : i32
    %add3A_81 = arith.addi %mul3A_2, %add3A_80 : i32
    %dma_wait3A_82 = arith.constant 0 : i32
    %dma_wait3A_83 = arith.constant 0 : i32
    %dma_wait3A_84 = tpu.memref_slice %arg4[%add3A_81, %dma_wait3A_82, %dma_wait3A_83] : memref<4096x64x64xf32, #tpu.memory_space<hbm>> -> memref<1x56x64xf32, #tpu.memory_space<hbm>>
    %dma_wait3A_85 = tpu.memref_squeeze %dma_wait3A_84 : memref<1x56x64xf32, #tpu.memory_space<hbm>> -> memref<56x64xf32, #tpu.memory_space<hbm>>
    %dma_wait3A_86 = arith.constant 0 : i32
    %dma_wait3A_87 = arith.constant 0 : i32
    %dma_wait3A_88 = tpu.memref_slice %arg4[%add3A_81, %dma_wait3A_86, %dma_wait3A_87] : memref<4096x64x64xf32, #tpu.memory_space<hbm>> -> memref<1x56x64xf32, #tpu.memory_space<hbm>>
    %dma_wait3A_89 = tpu.memref_squeeze %dma_wait3A_88 : memref<1x56x64xf32, #tpu.memory_space<hbm>> -> memref<56x64xf32, #tpu.memory_space<hbm>>
    tpu.wait_dma2 semaphore(%arg25 : memref<!tpu.dma_semaphore, #tpu.memory_space<semaphore_mem>>) src(%arg9 : memref<56x64xf32, #tpu.memory_space<vmem>>) dst(%dma_wait3A_89 : memref<56x64xf32, #tpu.memory_space<hbm>>)
    %add3A_90 = arith.constant 124 : i32
    %add3A_91 = arith.addi %mul3A_2, %add3A_90 : i32
    %dma_wait3A_92 = arith.constant 0 : i32
    %dma_wait3A_93 = arith.constant 0 : i32
    %dma_wait3A_94 = tpu.memref_slice %arg4[%add3A_91, %dma_wait3A_92, %dma_wait3A_93] : memref<4096x64x64xf32, #tpu.memory_space<hbm>> -> memref<1x56x64xf32, #tpu.memory_space<hbm>>
    %dma_wait3A_95 = tpu.memref_squeeze %dma_wait3A_94 : memref<1x56x64xf32, #tpu.memory_space<hbm>> -> memref<56x64xf32, #tpu.memory_space<hbm>>
    %dma_wait3A_96 = arith.constant 0 : i32
    %dma_wait3A_97 = arith.constant 0 : i32
    %dma_wait3A_98 = tpu.memref_slice %arg4[%add3A_91, %dma_wait3A_96, %dma_wait3A_97] : memref<4096x64x64xf32, #tpu.memory_space<hbm>> -> memref<1x56x64xf32, #tpu.memory_space<hbm>>
    %dma_wait3A_99 = tpu.memref_squeeze %dma_wait3A_98 : memref<1x56x64xf32, #tpu.memory_space<hbm>> -> memref<56x64xf32, #tpu.memory_space<hbm>>
    tpu.wait_dma2 semaphore(%arg26 : memref<!tpu.dma_semaphore, #tpu.memory_space<semaphore_mem>>) src(%arg10 : memref<56x64xf32, #tpu.memory_space<vmem>>) dst(%dma_wait3A_99 : memref<56x64xf32, #tpu.memory_space<hbm>>)
    %add3A_100 = arith.constant 125 : i32
    %add3A_101 = arith.addi %mul3A_2, %add3A_100 : i32
    %dma_wait3A_102 = arith.constant 0 : i32
    %dma_wait3A_103 = arith.constant 0 : i32
    %dma_wait3A_104 = tpu.memref_slice %arg4[%add3A_101, %dma_wait3A_102, %dma_wait3A_103] : memref<4096x64x64xf32, #tpu.memory_space<hbm>> -> memref<1x56x64xf32, #tpu.memory_space<hbm>>
    %dma_wait3A_105 = tpu.memref_squeeze %dma_wait3A_104 : memref<1x56x64xf32, #tpu.memory_space<hbm>> -> memref<56x64xf32, #tpu.memory_space<hbm>>
    %dma_wait3A_106 = arith.constant 0 : i32
    %dma_wait3A_107 = arith.constant 0 : i32
    %dma_wait3A_108 = tpu.memref_slice %arg4[%add3A_101, %dma_wait3A_106, %dma_wait3A_107] : memref<4096x64x64xf32, #tpu.memory_space<hbm>> -> memref<1x56x64xf32, #tpu.memory_space<hbm>>
    %dma_wait3A_109 = tpu.memref_squeeze %dma_wait3A_108 : memref<1x56x64xf32, #tpu.memory_space<hbm>> -> memref<56x64xf32, #tpu.memory_space<hbm>>
    tpu.wait_dma2 semaphore(%arg27 : memref<!tpu.dma_semaphore, #tpu.memory_space<semaphore_mem>>) src(%arg11 : memref<56x64xf32, #tpu.memory_space<vmem>>) dst(%dma_wait3A_109 : memref<56x64xf32, #tpu.memory_space<hbm>>)
    %add3A_110 = arith.constant 126 : i32
    %add3A_111 = arith.addi %mul3A_2, %add3A_110 : i32
    %dma_wait3A_112 = arith.constant 0 : i32
    %dma_wait3A_113 = arith.constant 0 : i32
    %dma_wait3A_114 = tpu.memref_slice %arg4[%add3A_111, %dma_wait3A_112, %dma_wait3A_113] : memref<4096x64x64xf32, #tpu.memory_space<hbm>> -> memref<1x56x64xf32, #tpu.memory_space<hbm>>
    %dma_wait3A_115 = tpu.memref_squeeze %dma_wait3A_114 : memref<1x56x64xf32, #tpu.memory_space<hbm>> -> memref<56x64xf32, #tpu.memory_space<hbm>>
    %dma_wait3A_116 = arith.constant 0 : i32
    %dma_wait3A_117 = arith.constant 0 : i32
    %dma_wait3A_118 = tpu.memref_slice %arg4[%add3A_111, %dma_wait3A_116, %dma_wait3A_117] : memref<4096x64x64xf32, #tpu.memory_space<hbm>> -> memref<1x56x64xf32, #tpu.memory_space<hbm>>
    %dma_wait3A_119 = tpu.memref_squeeze %dma_wait3A_118 : memref<1x56x64xf32, #tpu.memory_space<hbm>> -> memref<56x64xf32, #tpu.memory_space<hbm>>
    tpu.wait_dma2 semaphore(%arg28 : memref<!tpu.dma_semaphore, #tpu.memory_space<semaphore_mem>>) src(%arg12 : memref<56x64xf32, #tpu.memory_space<vmem>>) dst(%dma_wait3A_119 : memref<56x64xf32, #tpu.memory_space<hbm>>)
    %add3A_120 = arith.constant 127 : i32
    %add3A_121 = arith.addi %mul3A_2, %add3A_120 : i32
    %dma_wait3A_122 = arith.constant 0 : i32
    %dma_wait3A_123 = arith.constant 0 : i32
    %dma_wait3A_124 = tpu.memref_slice %arg4[%add3A_121, %dma_wait3A_122, %dma_wait3A_123] : memref<4096x64x64xf32, #tpu.memory_space<hbm>> -> memref<1x56x64xf32, #tpu.memory_space<hbm>>
    %dma_wait3A_125 = tpu.memref_squeeze %dma_wait3A_124 : memref<1x56x64xf32, #tpu.memory_space<hbm>> -> memref<56x64xf32, #tpu.memory_space<hbm>>
    %dma_wait3A_126 = arith.constant 0 : i32
    %dma_wait3A_127 = arith.constant 0 : i32
    %dma_wait3A_128 = tpu.memref_slice %arg4[%add3A_121, %dma_wait3A_126, %dma_wait3A_127] : memref<4096x64x64xf32, #tpu.memory_space<hbm>> -> memref<1x56x64xf32, #tpu.memory_space<hbm>>
    %dma_wait3A_129 = tpu.memref_squeeze %dma_wait3A_128 : memref<1x56x64xf32, #tpu.memory_space<hbm>> -> memref<56x64xf32, #tpu.memory_space<hbm>>
    tpu.wait_dma2 semaphore(%arg29 : memref<!tpu.dma_semaphore, #tpu.memory_space<semaphore_mem>>) src(%arg13 : memref<56x64xf32, #tpu.memory_space<vmem>>) dst(%dma_wait3A_129 : memref<56x64xf32, #tpu.memory_space<hbm>>)
    return
  }
}

</mosaic_0001>

<sc_bundles>
// kernel: kernel.3.cloned.1.call-start
scs
__scs_entry_jumppad:
0x0: {  	(pc) =	sbr.rel $0x88, $3  }
0x1: {  	(tag) =	ssettag $0x0;
	lr =	simm.s32 $0x1  }
0x2: {  	[smem:$0x3F9F] =	sst lr;
	_ =	strace $0xD0000000  }
0x3: {  	_ = 	snop  }
0x4: {  	_ = 	snop  }
0x5: {  	_ = 	snop  }
0x6: {  	_ = 	snop  }
0x7: {  	_ = 	snop  }
__scs_overlays_trampoline_lowered:
0x8: {  	[smem:$0x3FAE] =	sst s0  }
0x9: {  	[smem:$0x3FAF] =	sst s1  }
0xa: {  	[smem:$0x3FB0] =	sst s2  }
0xb: {  	[smem:$0x3FB1] =	sst s3  }
0xc: {  	[smem:$0x3FB2] =	sst s4  }
0xd: {  	[smem:$0x3FB3] =	sst s5  }
0xe: {  	[smem:$0x3FB4] =	sst s6  }
0xf: {  	[smem:$0x3FB5] =	sst s7  }
0x10: {  	[smem:$0x3FB6] =	sst s8  }
0x11: {  	[smem:$0x3FB7] =	sst s9;
	s0 =	simm.s32 @!p0 $0x0  }
0x12: {  	s1 =	sld [smem:$0x3F9D];
	s0 =	simm.s32 @p0 $0x1  }
0x13: {  	[smem:$0x3FB8] =	sst s0;
	s0 =	simm.s32 @!p1 $0x0  }
0x14: {  	s2 =	sld [smem:$0x3F9C];
	s0 =	simm.s32 @p1 $0x1  }
0x15: {  	[smem:$0x3FB9] =	sst s0;
	s0 =	simm.s32 @!p2 $0x0  }
0x16: {  	s3 =	sld [smem:$0x3FDB];
	s0 =	simm.s32 @p2 $0x1  }
0x17: {  	s4 =	simm.s32 $0x1BF5;
	[smem:$0x3FBB] =	sst s0  }
0x18: {  	s0 =	sld [smem:$0x3F9E];
	_ =	swait.ge [sflag:s4], $0x0  }
0x19: {  	s7 =	sld [smem:$0x3F9F]  }
0x1a: {  	s8 =	sadd.s32 $0xFFFFE003, lr  }
0x1b: {  	s9 =	sadd.s32 $0xFFFFFEF7, lr;
	s5 =	simm.s32 $0xFFFFFFFF;
	p2 =	slt.u32 s8, $0xFFFFF086  }
0x1c: {  	p1 =	slt.u32 s9, $0xF7A;
	s5 =	simm.s32 @!p2 $0x0  }
0x1d: {  	s5 =	simm.s32 @p1 $0x1;
	p0 =	seq.s32 s7, s2  }
0x1e: {  	s7 =	smul.u32 @!p0 $0xF7A, s2;
	p2 =	seq.s32 @!p0 s5, $0x0  }
0x1f: {  	s9 =	smul.u32 $0xF7A, s1;
	s8 =	simm.s32 @!p0 $0x1BF5;
	p2 =	por !p2, p0  }
0x20: {  	[sflag:s8] =	ssyncset.s32 @!p0 $0xFFFFF086;
	s6 =	sadd.s32 @!p0 s3, s7;
	s7 =	simm.s32 @!p0 $0x108  }
0x21: {  	s3 =	sadd.s32 s3, s9;
	s6 =	sadd.s32 @!p0 $0x88, s6;
	s7 =	simm.s32 @p2 $0x1082  }
0x22: {  	[simem:s7], [sflag:s8] =	dma.local @!p0 [hbm:s6], $0xF7A  }
0x23: {  	s9 =	sor.u32 $0xD0000000, s2;
	s6 =	simm.s32 $0x108;
	_ =	swait.ge @!p0 [sflag:s8], $0x0  }
0x24: {  	s3 =	sadd.s32 $0x88, s3;
	s6 =	simm.s32 @!p1 $0x1082;
	[sflag:s4] =	ssyncset.s32 $0xFFFFF086  }
0x25: {  	[simem:s6], [sflag:s4] =	dma.local [hbm:s3], $0xF7A  }
0x26: {  	[smem:$0x3F9F] =	sst s1;
	(tag) =	ssettag s2;
	_ =	strace s9  }
0x27: {  	s1 =	sld [smem:$0x3FAF]  }
0x28: {  	s2 =	sld [smem:$0x3FB0]  }
0x29: {  	s4 =	sld [smem:$0x3FB2]  }
0x2a: {  	p0 =	seq.s32 s5, $0x0;
	s5 =	sld [smem:$0x3FB3]  }
0x2b: {  	s6 =	sld [smem:$0x3FB4]  }
0x2c: {  	s7 =	sld [smem:$0x3FB5]  }
0x2d: {  	s3 =	simm.s32 $0x108;
	s8 =	sld [smem:$0x3FB6]  }
0x2e: {  	s3 =	simm.s32 @!p0 $0x1082;
	s9 =	sld [smem:$0x3FB7]  }
0x2f: {  	lr =	sadd.s32 s0, s3;
	s0 =	sld [smem:$0x3FAE]  }
0x30: {  	s3 =	sld [smem:$0x3FB1]  }
0x31: {  	[smem:$0x3FBA] =	sst s10  }
0x32: {  	s10 =	sld [smem:$0x3FB8];
	_ =	sdelay $0x3  }
0x33: {  	p0 =	seq.s32 s10, $0x1;
	s10 =	sld [smem:$0x3FBA];
	_ =	sdelay $0x3  }
0x34: {  	[smem:$0x3FBA] =	sst s10  }
0x35: {  	s10 =	sld [smem:$0x3FB9];
	_ =	sdelay $0x3  }
0x36: {  	p1 =	seq.s32 s10, $0x1;
	s10 =	sld [smem:$0x3FBA];
	_ =	sdelay $0x3  }
0x37: {  	[smem:$0x3FBA] =	sst s10  }
0x38: {  	s10 =	sld [smem:$0x3FBB]  }
0x39: {  	_ = 	snop;
	(pc) =	sbr.ind lr, $3  }
0x3a: {  	_ = 	snop  }
0x3b: {  	_ = 	snop  }
0x3c: {  	p2 =	seq.s32 s10, $0x1;
	s10 =	sld [smem:$0x3FBA]  }
0x3d: {  	_ =	shalt  }
0x3e: {  	_ =	shalt  }
0x3f: {  	_ =	shalt  }
0x40: {  	_ =	shalt  }
0x41: {  	_ =	shalt  }
0x42: {  	_ =	shalt  }
0x43: {  	_ =	shalt  }
0x44: {  	_ =	shalt  }
0x45: {  	_ =	shalt  }
0x46: {  	_ =	shalt  }
0x47: {  	_ =	shalt  }
0x48: {  	_ =	shalt  }
0x49: {  	_ =	shalt  }
0x4a: {  	_ =	shalt  }
0x4b: {  	_ =	shalt  }
0x4c: {  	_ =	shalt  }
0x4d: {  	_ =	shalt  }
0x4e: {  	_ =	shalt  }
0x4f: {  	_ =	shalt  }
0x50: {  	_ =	shalt  }
0x51: {  	_ =	shalt  }
0x52: {  	_ =	shalt  }
0x53: {  	_ =	shalt  }
0x54: {  	_ =	shalt  }
0x55: {  	_ =	shalt  }
0x56: {  	_ =	shalt  }
0x57: {  	_ =	shalt  }
0x58: {  	_ =	shalt  }
0x59: {  	_ =	shalt  }
0x5a: {  	_ =	shalt  }
0x5b: {  	_ =	shalt  }
0x5c: {  	_ =	shalt  }
0x5d: {  	_ =	shalt  }
0x5e: {  	_ =	shalt  }
0x5f: {  	_ =	shalt  }
0x60: {  	_ =	shalt  }
0x61: {  	_ =	shalt  }
0x62: {  	_ =	shalt  }
0x63: {  	_ =	shalt  }
0x64: {  	_ =	shalt  }
0x65: {  	_ =	shalt  }
0x66: {  	_ =	shalt  }
0x67: {  	_ =	shalt  }
0x68: {  	_ =	shalt  }
0x69: {  	_ =	shalt  }
0x6a: {  	_ =	shalt  }
0x6b: {  	_ =	shalt  }
0x6c: {  	_ =	shalt  }
0x6d: {  	_ =	shalt  }
0x6e: {  	_ =	shalt  }
0x6f: {  	_ =	shalt  }
0x70: {  	_ =	shalt  }
0x71: {  	_ =	shalt  }
0x72: {  	_ =	shalt  }
0x73: {  	_ =	shalt  }
0x74: {  	_ =	shalt  }
0x75: {  	_ =	shalt  }
0x76: {  	_ =	shalt  }
0x77: {  	_ =	shalt  }
0x78: {  	_ =	shalt  }
0x79: {  	_ =	shalt  }
0x7a: {  	_ =	shalt  }
0x7b: {  	_ =	shalt  }
0x7c: {  	_ =	shalt  }
0x7d: {  	_ =	shalt  }
0x7e: {  	_ =	shalt  }
0x7f: {  	_ =	shalt  }
0x80: {  	_ =	shalt  }
0x81: {  	_ =	shalt  }
0x82: {  	_ =	shalt  }
0x83: {  	_ =	shalt  }
0x84: {  	_ =	shalt  }
0x85: {  	_ =	shalt  }
0x86: {  	_ =	shalt  }
0x87: {  	_ =	shalt  }
.Lfunc_end0:
.L_simem_size_0:
called_computation.1_lowered:
.L_overlay_start_0:
0x88: {  	s2 =	sld [smem:$0x3FD9]  }
0x89: {  	s3 =	sld [smem:$0x3FFE];
	_ =	sdelay $0x1  }
0x8a: {  	s1 =	srdreg.scid  }
0x8b: {  	s0 =	sand.u32 $0x1, s1  }
0x8c: {  	s16 =	sshll.u32 s0, $0xA;
	s2 =	sadd.s32 s3, s2  }
0x8d: {  	s2 =	sadd.s32 s2, s16  }
0x8e: {  	[smem:$0x3FC6] =	sst s2  }
0x8f: {  	_ = 	snop  }
0x90: {  	(tm) =	ssettm $0x1  }
0x91: {  	s17 =	sld [smem:$0x3FFB];
	_ =	sdelay $0x3  }
0x92: {  	_ =	strace s17  }
0x93: {  	s2 =	sld [smem:$0x3FFC];
	_ =	sdelay $0x3  }
0x94: {  	_ =	strace s2  }
0x95: {  	s2 =	sld [smem:$0x3FFD];
	_ =	sdelay $0x3  }
0x96: {  	_ =	strace s2  }
0x97: {  	_ =	strace $0x8FFFFFFF  }
0x98: {  	s18 =	sld [smem:$0x3FDB];
	_ =	sdelay $0x1  }
0x99: {  	s19 =	simm.s32 $_scs_section_size  }
0x9a: {  	s4 =	simm.s32 $_size__tile_overlayer_lowered;
	s5 =	simm.s32 $_tile_overlayer_lowered  }
0x9b: {  	s22 =	simm.s32 $0x1BFF;
	s21 =	sshll.u32 s5, $0x1;
	s2 =	sadd.s32 s19, s18  }
0x9c: {  	s6 =	simm.s32 $0x0;
	s20 =	sshll.u32 s4, $0x1;
	s4 =	sadd.s32 s21, s2  }
0x9d: {  	[timem:s6], [sflag:s22] =	dma.local [hbm:s4], s20  }
0x9e: {  	_ =	swait.ge [sflag:s22], s20  }
0x9f: {  	s3 =	ssub.s32 $0x0, s20;
	[sflag:s22] =	ssyncset.done $0x0  }
0xa0: {  	[sflag:s22] =	ssyncadd.s32 s3;
	_ =	sdelay $0x1  }
0xa1: {  	s23 =	simm.s32 $0x1B8B  }
0xa2: {  	_ =	swait.ge [sflag:s23], $0x1  }
0xa3: {  	[sflag:s23] =	ssyncset.done $0x0  }
0xa4: {  	s25 =	simm.s32 $0x1B8E;
	s24 =	sld [smem:$0x3FFE];
	[sflag:s23] =	ssyncadd.s32 $0xFFFFFFFF  }
0xa5: {  	s26 =	simm.s32 $execute0_lowered;
	[smem:$0x3FD2] =	sst s25  }
0xa6: {  	s4 =	sshll.u32 s26, $0x1;
	_ =	strace $0x80000046;
	[dreg:$0x1] =	wrdreg $0xFFFFFFFF  }
0xa7: {  	s28 =	simm.s32 $_size_execute0_lowered;
	s2 =	sadd.s32 s2, s4;
	[dreg:$0x0] =	wrdreg $0x0  }
0xa8: {  	s4 =	sshll.u32 s28, $0x1;
	[dreg:$0x2] =	wrdreg s2  }
0xa9: {  	[dreg:$0x3] =	wrdreg s4  }
0xaa: {  	[dreg:$0x4] =	wrdreg $0xC0  }
0xab: {  	_ =	task [dreg:s6], $0x5FFFF  }
0xac: {  	[dreg:$0x1] =	wrdreg $0xFFFFFFFF  }
0xad: {  	[dreg:$0x0] =	wrdreg $0x60  }
0xae: {  	[dreg:$0x2] =	wrdreg s24  }
0xaf: {  	[dreg:$0x3] =	wrdreg $0x9  }
0xb0: {  	_ =	task.clear_ibuf [dreg:s6], $0x4FFFF;
	_ =	strace $0x90000046  }
0xb1: {  	s29 =	simm.s32 $0x9;
	_ =	strace $0x80000048  }
0xb2: {  	_ =	swait.ge [sflag:s29], $0x1  }
0xb3: {  	[sflag:s29] =	ssyncadd.s32 $0xFFFFFFFF  }
0xb4: {  	_ =	strace $0x90000048  }
0xb5: {  	_ =	sfence  }
0xb6: {  	s30 =	sld [smem:$0x0];
	_ =	sdelay $0x2  }
0xb7: {  	s31 =	sshll.u32 s1, $0xD;
	s1 =	sshrl.u32 s1, $0x2  }
0xb8: {  	s3 =	sand.u32 $0x4000, s31;
	s1 =	sadd.s32 s1, s30  }
0xb9: {  	s0 =	sor.u32 s3, s0;
	s1 =	sshll.u32 s1, $0x11  }
0xba: {  	s0 =	sor.u32 s1, s0  }
0xbb: {  	s0 =	sadd.s32 $0x8F2B, s0  }
0xbc: {  	[sflag:s0] =	ssyncadd.remote.s32 $0x1  }
0xbd: {  	_ =	sfence.sel $0xFFFF  }
0xbe: {  	[dreg:$0x0] =	wrdreg $0xFFFFFFFF;
	(pc) =	sbr.abs _section_cstart, $3  }
0xbf: {  	[dreg:$0x1] =	wrdreg $0xFFFFFFFF  }
0xc0: {  	_ =	task.clear_ibuf [dreg:s6], $0x2FFFF;
	_ =	strace $0x9FFFFFFF  }
0xc1: {  	(tm) =	ssettm $0x7FFFFFFF  }
tec
execute0_lowered:
.L_overlay_start_1:
0x0: {  	(tag) =	ssettag $0x1  }
0x1: {  	s0 =	rddreg [dreg:$0x0]  }
0x2: {  	s1 =	srdreg.scid;
	s2 =	simm.s32 $0x0;
	s6 =	stileid.u32  }
0x3: {  	s12 =	simm.s32 $0x38;
	s15 =	simm.s32 $0x2E00;
	s17 =	simm.s32 $0x3C00  }
0x4: {  	s19 =	simm.s32 $0x4A00;
	s21 =	simm.s32 $0x5800;
	s23 =	simm.s32 $0x6600  }
0x5: {  	s24 =	simm.s32 $0x1;
	s28 =	simm.s32 $0x8200;
	s29 =	simm.s32 $0x3  }
0x6: {  	s30 =	simm.s32 $0x4;
	s31 =	simm.s32 $0x5;
	s14 =	simm.s32 $0x8  }
0x7: {  	s11 =	simm.s32 $0x0;
	s1 =	sand.u32 $0x1, s1;
	[smem:$0x7FF] =	sst s2  }
0x8: {  	s4 =	sshll.u32 s6, $0xB;
	s3 =	sadd.s32 $0x8800, s0;
	s6 =	sshll.u32 s6, $0x11  }
0x9: {  	s5 =	sshll.u32 s1, $0xA;
	_ =	strace $0x80000047;
	s25 =	ssub.s32 $0x2, s1  }
0xa: {  	s1 =	sshll.u32 s1, $0x10;
	s4 =	sor.u32 s5, s4;
	s26 =	sshrl.u32 s25, $0x1  }
0xb: {  	s6 =	sor.u32 s1, s6;
	s1 =	simm.s32 $0x7;
	s5 =	simm.s32 $0xE  }
.Ltmp0:
0xc: {  	s4 =	sadd.s32 s4, s0;
	s0 =	sadd.s32 $0xCBE00, s0;
	(pc) =	sbr.rel .LBB2_1-.Ltmp0, $4  }
0xd: {  	s8 =	sor.u32 $0x800, s6;
	s9 =	sor.u32 $0x400, s6;
	s10 =	sor.u32 $0xC00, s6  }
0xe: {  	[dreg:$0x2] =	wrdreg s0;
	s0 =	ssub.s32 s25, s26;
	s4 =	sadd.s32 $0x800, s4  }
0xf: {  	s25 =	simm.s32 $0x7400;
	[dreg:$0x3] =	wrdreg s4;
	s0 =	smax.u32 s0, $0x1  }
0x10: {  	s26 =	simm.s32 $0x2;
	[dreg:$0x4] =	wrdreg s0;
	s0 =	simm.s32 $0x6  }
.LBB2_4:
0x11: {  	s4 =	simm.s32 $0x9  }
0x12: {  	_ =	swait.ge [sflag:s4], $0xE00  }
0x13: {  	[sflag:s4] =	ssyncset.done $0x0  }
0x14: {  	s11 =	simm.s32 $0xA;
	[sflag:s4] =	ssyncadd.s32 $0xFFFFF200  }
0x15: {  	_ =	swait.ge [sflag:s11], $0xE00  }
0x16: {  	[sflag:s11] =	ssyncset.done $0x0  }
0x17: {  	s13 =	simm.s32 $0xB;
	[sflag:s11] =	ssyncadd.s32 $0xFFFFF200  }
0x18: {  	_ =	swait.ge [sflag:s13], $0xE00  }
0x19: {  	[sflag:s13] =	ssyncset.done $0x0  }
0x1a: {  	s16 =	simm.s32 $0xC;
	[sflag:s13] =	ssyncadd.s32 $0xFFFFF200  }
0x1b: {  	_ =	swait.ge [sflag:s16], $0xE00  }
0x1c: {  	[sflag:s16] =	ssyncset.done $0x0  }
0x1d: {  	s18 =	simm.s32 $0xD;
	[sflag:s16] =	ssyncadd.s32 $0xFFFFF200  }
0x1e: {  	_ =	swait.ge [sflag:s18], $0xE00  }
0x1f: {  	[sflag:s18] =	ssyncset.done $0x0  }
0x20: {  	[sflag:s18] =	ssyncadd.s32 $0xFFFFF200  }
0x21: {  	_ =	swait.ge [sflag:s5], $0xE00  }
0x22: {  	[sflag:s5] =	ssyncset.done $0x0  }
0x23: {  	s20 =	simm.s32 $0xF;
	[sflag:s5] =	ssyncadd.s32 $0xFFFFF200  }
0x24: {  	_ =	swait.ge [sflag:s20], $0xE00  }
0x25: {  	[sflag:s20] =	ssyncset.done $0x0  }
0x26: {  	s7 =	simm.s32 $0x10;
	[sflag:s20] =	ssyncadd.s32 $0xFFFFF200  }
0x27: {  	_ =	swait.ge [sflag:s7], $0xE00  }
0x28: {  	s11 =	rddreg [dreg:$0x5]  }
0x29: {  	s22 =	rddreg [dreg:$0x4];
	s11 =	sadd.s32 $0x1, s11  }
0x2a: {  	p0 =	sne.s32 s11, s22  }
.Ltmp1:
0x2b: {  	_ = 	snop;
	(pc) =	sbr.rel @!p0 .LBB2_5-.Ltmp1, $3  }
0x2c: {  	_ =	sdelay $0x1  }
0x2d: {  	[sflag:s7] =	ssyncset.done $0x0  }
0x2e: {  	[sflag:s7] =	ssyncadd.s32 $0xFFFFF200  }
.LBB2_1:
0x2f: {  	[dreg:$0x5] =	wrdreg s11  }
0x30: {  	s4 =	rddreg [dreg:$0x3];
	s7 =	simm.s32 $0x11  }
0x31: {  	[tilespmem:s2], [sflag:$0x11] =	stream.linear.gather [hbm4b:s4+s2], $0x2000, $0x38;
	[tilespmem:$0x9000] =	vst v63  }
0x32: {  	_ =	swait.ge [sflag:s7], $0x2000  }
0x33: {  	[sflag:s7] =	ssyncset.done $0x0  }
0x34: {  	s11 =	simm.s32 $0x2000;
	[sflag:s7] =	ssyncadd.s32 $0xFFFFE000  }
0x35: {  	[tilespmem:s11], [sflag:$0x1] =	stream.indirect.gather [hbm4b:s3+s12], $0x40, s2, s12, $0xb8;
	[tilespmem:$0x9000] =	vst v63  }
0x36: {  	s13 =	simm.s32 $0x40  }
0x37: {  	[tilespmem:s15], [sflag:$0x2] =	stream.indirect.gather [hbm4b:s3+s12], $0x40, s13, s12, $0xb8;
	[tilespmem:$0x9000] =	vst v63  }
0x38: {  	s16 =	simm.s32 $0x80  }
0x39: {  	[tilespmem:s17], [sflag:$0x3] =	stream.indirect.gather [hbm4b:s3+s12], $0x40, s16, s12, $0xb8;
	[tilespmem:$0x9000] =	vst v63  }
0x3a: {  	s18 =	simm.s32 $0xC0  }
0x3b: {  	[tilespmem:s19], [sflag:$0x4] =	stream.indirect.gather [hbm4b:s3+s12], $0x40, s18, s12, $0xb8;
	[tilespmem:$0x9000] =	vst v63  }
0x3c: {  	s20 =	simm.s32 $0x100  }
0x3d: {  	[tilespmem:s21], [sflag:$0x5] =	stream.indirect.gather [hbm4b:s3+s12], $0x40, s20, s12, $0xb8;
	[tilespmem:$0x9000] =	vst v63  }
0x3e: {  	s22 =	simm.s32 $0x140;
	s18 =	rddreg [dreg:$0x2];
	s20 =	simm.s32 $0x0  }
0x3f: {  	[tilespmem:s23], [sflag:$0x6] =	stream.indirect.gather [hbm4b:s3+s12], $0x40, s22, s12, $0xb8;
	[tilespmem:$0x9000] =	vst v63  }
.LBB2_2:
0x40: {  	_ =	swait.ge [sflag:s24], $0xE00  }
0x41: {  	s4 =	sadd.s32 s18, s6;
	[sflag:s24] =	ssyncset.done $0x0  }
0x42: {  	s7 =	simm.s32 $0x2000;
	p0 =	seq.s32 s20, $0x0;
	[sflag:s24] =	ssyncadd.s32 $0xFFFFF200  }
0x43: {  	[hbm4b:s4+s2] =	stream.linear.scatter [tilespmem:s7], [sflag:$0x9], $0xE00, $0x38;
	[tilespmem:$0x9000] =	vst v63  }
0x44: {  	s7 =	simm.s32 @!p0 $0xF  }
0x45: {  	_ =	swait.ge @!p0 [sflag:s7], $0xE00  }
0x46: {  	s22 =	sshra.s32 s20, $0x2;
	[sflag:s7] =	ssyncset.done @!p0 $0x0  }
0x47: {  	s11 =	sadd.s32 $0x180, s22;
	[sflag:s7] =	ssyncadd.s32 @!p0 $0xFFFFF200  }
0x48: {  	[tilespmem:s25], [sflag:$0x7] =	stream.indirect.gather [hbm4b:s3+s12], $0x40, s11, s12, $0xb8;
	[tilespmem:$0x9000] =	vst v63  }
0x49: {  	_ =	swait.ge [sflag:s26], $0xE00  }
0x4a: {  	[sflag:s26] =	ssyncset.done $0x0  }
0x4b: {  	s13 =	sadd.s32 $0x200, s4;
	s7 =	simm.s32 @!p0 $0x10;
	[sflag:s26] =	ssyncadd.s32 $0xFFFFF200  }
0x4c: {  	[hbm4b:s13+s2] =	stream.linear.scatter [tilespmem:s15], [sflag:$0xA], $0xE00, $0x38;
	[tilespmem:$0x9000] =	vst v63  }
0x4d: {  	_ =	swait.ge @!p0 [sflag:s7], $0xE00  }
0x4e: {  	[sflag:s7] =	ssyncset.done @!p0 $0x0  }
0x4f: {  	s16 =	sadd.s32 $0x1C0, s22;
	[sflag:s7] =	ssyncadd.s32 @!p0 $0xFFFFF200  }
0x50: {  	[tilespmem:s28], [sflag:$0x8] =	stream.indirect.gather [hbm4b:s3+s12], $0x40, s16, s12, $0xb8;
	[tilespmem:$0x9000] =	vst v63  }
0x51: {  	_ =	swait.ge [sflag:s29], $0xE00  }
0x52: {  	p0 =	seq.s32 s20, $0x7800;
	[sflag:s29] =	ssyncset.done $0x0  }
0x53: {  	s11 =	sadd.s32 s18, s9;
	s7 =	simm.s32 @!p0 $0x9;
	[sflag:s29] =	ssyncadd.s32 $0xFFFFF200  }
0x54: {  	[hbm4b:s11+s2] =	stream.linear.scatter [tilespmem:s17], [sflag:$0xB], $0xE00, $0x38;
	[tilespmem:$0x9000] =	vst v63  }
0x55: {  	_ =	swait.ge @!p0 [sflag:s7], $0xE00  }
0x56: {  	[sflag:s7] =	ssyncset.done @!p0 $0x0  }
0x57: {  	[sflag:s7] =	ssyncadd.s32 @!p0 $0xFFFFF200;
	s7 =	sshra.s32 @!p0 s20, $0x2  }
0x58: {  	s16 =	simm.s32 @!p0 $0x38;
	s13 =	simm.s32 @!p0 $0x2000;
	s11 =	sadd.s32 @!p0 $0x200, s7  }
0x59: {  	[tilespmem:s13], [sflag:$0x1] =	stream.indirect.gather @!p0 [hbm4b:s3+s16], $0x40, s11, s16, $0xb8;
	[tilespmem:$0x9000] =	vst v63  }
0x5a: {  	_ =	swait.ge [sflag:s30], $0xE00  }
0x5b: {  	[sflag:s30] =	ssyncset.done $0x0  }
0x5c: {  	s13 =	sadd.s32 $0x600, s4;
	s11 =	simm.s32 @!p0 $0xA;
	[sflag:s30] =	ssyncadd.s32 $0xFFFFF200  }
0x5d: {  	[hbm4b:s13+s2] =	stream.linear.scatter [tilespmem:s19], [sflag:$0xC], $0xE00, $0x38;
	[tilespmem:$0x9000] =	vst v63  }
0x5e: {  	_ =	swait.ge @!p0 [sflag:s11], $0xE00  }
0x5f: {  	[sflag:s11] =	ssyncset.done @!p0 $0x0  }
0x60: {  	s13 =	simm.s32 @!p0 $0x2E00;
	[sflag:s11] =	ssyncadd.s32 @!p0 $0xFFFFF200;
	s11 =	sadd.s32 @!p0 $0x240, s7  }
0x61: {  	[tilespmem:s13], [sflag:$0x2] =	stream.indirect.gather @!p0 [hbm4b:s3+s16], $0x40, s11, s16, $0xb8;
	[tilespmem:$0x9000] =	vst v63  }
0x62: {  	_ =	swait.ge [sflag:s31], $0xE00  }
0x63: {  	[sflag:s31] =	ssyncset.done $0x0  }
0x64: {  	s13 =	sadd.s32 s18, s8;
	s11 =	simm.s32 @!p0 $0xB;
	[sflag:s31] =	ssyncadd.s32 $0xFFFFF200  }
0x65: {  	[hbm4b:s13+s2] =	stream.linear.scatter [tilespmem:s21], [sflag:$0xD], $0xE00, $0x38;
	[tilespmem:$0x9000] =	vst v63  }
0x66: {  	_ =	swait.ge @!p0 [sflag:s11], $0xE00  }
0x67: {  	[sflag:s11] =	ssyncset.done @!p0 $0x0  }
0x68: {  	s13 =	simm.s32 @!p0 $0x3C00;
	[sflag:s11] =	ssyncadd.s32 @!p0 $0xFFFFF200;
	s11 =	sadd.s32 @!p0 $0x280, s7  }
0x69: {  	[tilespmem:s13], [sflag:$0x3] =	stream.indirect.gather @!p0 [hbm4b:s3+s16], $0x40, s11, s16, $0xb8;
	[tilespmem:$0x9000] =	vst v63  }
0x6a: {  	_ =	swait.ge [sflag:s0], $0xE00  }
0x6b: {  	[sflag:s0] =	ssyncset.done $0x0  }
0x6c: {  	s13 =	sadd.s32 $0xA00, s4;
	s11 =	simm.s32 @!p0 $0xC;
	[sflag:s0] =	ssyncadd.s32 $0xFFFFF200  }
0x6d: {  	[hbm4b:s13+s2] =	stream.linear.scatter [tilespmem:s23], [sflag:$0xE], $0xE00, $0x38;
	[tilespmem:$0x9000] =	vst v63  }
0x6e: {  	_ =	swait.ge @!p0 [sflag:s11], $0xE00  }
0x6f: {  	[sflag:s11] =	ssyncset.done @!p0 $0x0  }
0x70: {  	s13 =	simm.s32 @!p0 $0x4A00;
	[sflag:s11] =	ssyncadd.s32 @!p0 $0xFFFFF200;
	s11 =	sadd.s32 @!p0 $0x2C0, s7  }
0x71: {  	[tilespmem:s13], [sflag:$0x4] =	stream.indirect.gather @!p0 [hbm4b:s3+s16], $0x40, s11, s16, $0xb8;
	[tilespmem:$0x9000] =	vst v63  }
0x72: {  	_ =	swait.ge [sflag:s1], $0xE00  }
0x73: {  	[sflag:s1] =	ssyncset.done $0x0  }
0x74: {  	s13 =	sadd.s32 s18, s10;
	s11 =	simm.s32 @!p0 $0xD;
	[sflag:s1] =	ssyncadd.s32 $0xFFFFF200  }
0x75: {  	[hbm4b:s13+s2] =	stream.linear.scatter [tilespmem:s25], [sflag:$0xF], $0xE00, $0x38;
	[tilespmem:$0x9000] =	vst v63  }
0x76: {  	_ =	swait.ge @!p0 [sflag:s11], $0xE00  }
0x77: {  	[sflag:s11] =	ssyncset.done @!p0 $0x0  }
0x78: {  	s7 =	sadd.s32 @!p0 $0x300, s7;
	[sflag:s11] =	ssyncadd.s32 @!p0 $0xFFFFF200;
	s11 =	simm.s32 @!p0 $0x5800  }
0x79: {  	[tilespmem:s11], [sflag:$0x5] =	stream.indirect.gather @!p0 [hbm4b:s3+s16], $0x40, s7, s16, $0xb8;
	[tilespmem:$0x9000] =	vst v63  }
.Ltmp2:
0x7a: {  	_ = 	snop;
	(pc) =	sbr.rel @p0 .LBB2_4-.Ltmp2, $4  }
0x7b: {  	_ =	swait.ge [sflag:s14], $0xE00  }
0x7c: {  	[sflag:s14] =	ssyncset.done $0x0  }
0x7d: {  	s4 =	sadd.s32 $0xE00, s4;
	[sflag:s14] =	ssyncadd.s32 $0xFFFFF200  }
0x7e: {  	[hbm4b:s4+s2] =	stream.linear.scatter [tilespmem:s28], [sflag:$0x10], $0xE00, $0x38;
	[tilespmem:$0x9000] =	vst v63  }
.Ltmp3:
0x7f: {  	(pc) =	sbr.rel .LBB2_2-.Ltmp3, $4  }
0x80: {  	_ =	swait.ge [sflag:s5], $0xE00  }
0x81: {  	s4 =	sadd.s32 $0x340, s22;
	[sflag:s5] =	ssyncset.done $0x0  }
0x82: {  	s20 =	sadd.s32 $0x800, s20;
	s18 =	sadd.s32 $0x1000, s18;
	[sflag:s5] =	ssyncadd.s32 $0xFFFFF200  }
0x83: {  	[tilespmem:s23], [sflag:$0x6] =	stream.indirect.gather [hbm4b:s3+s12], $0x40, s4, s12, $0xb8;
	[tilespmem:$0x9000] =	vst v63  }
.LBB2_5:
0x84: {  	_ =	sfence.sel $0x180000  }
0x85: {  	[bflag:$0x0] =	sbarrier.arrive $0xFFFF  }
0x86: {  	_ =	strace $0x90000047  }
0x87: {  	s0 =	stileid.u32;
	[bflag:$0x2] =	sbarrier.arrive $0xFFFF  }
0x88: {  	p0 =	sne.s32 s0, $0x0;
	s0 =	rddreg [dreg:$0x1]  }
0x89: {  	s0 =	sadd.s32 @!p0 $0x100000, s0  }
0x8a: {  	[sflag:s0] =	ssyncadd.tile.s32 @!p0 $0x1;
	_ =	shalt  }
.Lfunc_end2:
_tile_overlayer_lowered:
.L_overlay_start_2:
0x8b: {  	(tag) =	ssettag $0x2  }
0x8c: {  	s0 =	rddreg [dreg:$0x0];
	s2 =	stileid.u32  }
0x8d: {  	s1 =	rddreg [dreg:$0x1];
	p0 =	sne.s32 s2, $0x0  }
0x8e: {  	s3 =	rddreg [dreg:$0x2];
	[bflag:$0x3] =	sbarrier.arrive $0xFFFF;
	s2 =	simm.s32 @!p0 $0x1C11  }
0x8f: {  	[timem:s3], [sflag:s2] =	dma.local @!p0 [hbm:s0], s1  }
0x90: {  	s0 =	simm.s32 @!p0 $0x11  }
0x91: {  	_ =	swait.ge @!p0 [sflag:s0], s1  }
0x92: {  	s1 =	ssub.s32 @!p0 $0x0, s1;
	[sflag:s0] =	ssyncset.done @!p0 $0x0  }
0x93: {  	[sflag:s0] =	ssyncadd.s32 @!p0 s1  }
0x94: {  	[bflag:$0x3] =	sbarrier.arrive $0xFFFF  }
0x95: {  	_ =	shalt  }

// kernel: sparse-core-data-format-call.cloned.1.call-start
scs
called_computation_lowered:
.L_overlay_start_0:
0x0: {  	s2 =	sld [smem:$0x3FD9]  }
0x1: {  	s3 =	sld [smem:$0x3FFE];
	_ =	sdelay $0x1  }
0x2: {  	s1 =	srdreg.scid  }
0x3: {  	s0 =	sand.u32 $0x1, s1  }
0x4: {  	s18 =	sshll.u32 s0, $0xA;
	s2 =	sadd.s32 s3, s2  }
0x5: {  	s2 =	sadd.s32 s2, s18  }
0x6: {  	[smem:$0x3FC6] =	sst s2  }
0x7: {  	_ = 	snop  }
0x8: {  	s2 =	sld [smem:$0x3FD0];
	(tm) =	ssettm $0x1  }
0x9: {  	s19 =	sld [smem:$0x3FFB];
	_ =	sdelay $0x3  }
0xa: {  	_ =	strace s19  }
0xb: {  	s3 =	sld [smem:$0x3FFC];
	_ =	sdelay $0x3  }
0xc: {  	_ =	strace s3  }
0xd: {  	s3 =	sld [smem:$0x3FFD];
	_ =	sdelay $0x3  }
0xe: {  	_ =	strace s3  }
0xf: {  	_ =	strace $0x8FFFFFFF  }
0x10: {  	s20 =	sld [smem:$0x3FDB];
	_ =	sdelay $0x1  }
0x11: {  	s4 =	simm.s32 $_scs_section_size  }
0x12: {  	s5 =	simm.s32 $_size__tile_overlayer_lowered;
	s6 =	simm.s32 $_tile_overlayer_lowered  }
0x13: {  	s23 =	simm.s32 $0x1BFF;
	s22 =	sshll.u32 s6, $0x1;
	s3 =	sadd.s32 s4, s20  }
0x14: {  	s7 =	simm.s32 $0x0;
	s21 =	sshll.u32 s5, $0x1;
	s5 =	sadd.s32 s22, s3  }
0x15: {  	[timem:s7], [sflag:s23] =	dma.local [hbm:s5], s21  }
0x16: {  	_ =	swait.ge [sflag:s23], s21  }
0x17: {  	s4 =	ssub.s32 $0x0, s21;
	[sflag:s23] =	ssyncset.done $0x0  }
0x18: {  	[sflag:s23] =	ssyncadd.s32 s4;
	_ =	sdelay $0x1  }
0x19: {  	s24 =	simm.s32 $0x1B8B  }
0x1a: {  	_ =	swait.ge [sflag:s24], $0x1  }
0x1b: {  	[sflag:s24] =	ssyncset.done $0x0  }
0x1c: {  	s26 =	simm.s32 $0x1B8E;
	s25 =	sld [smem:$0x3FFE];
	[sflag:s24] =	ssyncadd.s32 $0xFFFFFFFF  }
0x1d: {  	s27 =	simm.s32 $execute0_lowered;
	[smem:$0x3FD2] =	sst s26  }
0x1e: {  	s5 =	sshll.u32 s27, $0x1;
	_ =	strace $0x80000049;
	[dreg:$0x1] =	wrdreg $0xFFFFFFFF  }
0x1f: {  	s28 =	simm.s32 $_size_execute0_lowered;
	s3 =	sadd.s32 s3, s5;
	[dreg:$0x0] =	wrdreg $0x0  }
0x20: {  	s5 =	sshll.u32 s28, $0x1;
	[dreg:$0x2] =	wrdreg s3  }
0x21: {  	[dreg:$0x3] =	wrdreg s5  }
0x22: {  	[dreg:$0x4] =	wrdreg $0xC0  }
0x23: {  	_ =	task [dreg:s7], $0x5FFFF  }
0x24: {  	[dreg:$0x1] =	wrdreg $0xFFFFFFFF  }
0x25: {  	[dreg:$0x0] =	wrdreg $0x60  }
0x26: {  	[dreg:$0x2] =	wrdreg s25  }
0x27: {  	[dreg:$0x3] =	wrdreg s2  }
0x28: {  	[dreg:$0x4] =	wrdreg $0x9  }
0x29: {  	_ =	task.clear_ibuf [dreg:s7], $0x5FFFF;
	_ =	strace $0x90000049  }
0x2a: {  	s29 =	simm.s32 $0x9;
	_ =	strace $0x8000004B  }
0x2b: {  	_ =	swait.ge [sflag:s29], $0x1  }
0x2c: {  	[sflag:s29] =	ssyncadd.s32 $0xFFFFFFFF  }
0x2d: {  	_ =	strace $0x9000004B  }
0x2e: {  	_ =	sfence  }
0x2f: {  	s30 =	sld [smem:$0x0];
	_ =	sdelay $0x2  }
0x30: {  	s31 =	sshll.u32 s1, $0xD;
	s1 =	sshrl.u32 s1, $0x2  }
0x31: {  	s3 =	sand.u32 $0x4000, s31;
	s1 =	sadd.s32 s1, s30  }
0x32: {  	s0 =	sor.u32 s3, s0;
	s1 =	sshll.u32 s1, $0x11  }
0x33: {  	s0 =	sor.u32 s1, s0  }
0x34: {  	s0 =	sadd.s32 $0x8F2B, s0  }
0x35: {  	[sflag:s0] =	ssyncadd.remote.s32 $0x1  }
0x36: {  	_ =	sfence.sel $0xFFFF  }
0x37: {  	[dreg:$0x0] =	wrdreg $0xFFFFFFFF;
	(pc) =	sbr.abs _section_cstart, $3  }
0x38: {  	[dreg:$0x1] =	wrdreg $0xFFFFFFFF  }
0x39: {  	_ =	task.clear_ibuf [dreg:s7], $0x2FFFF;
	_ =	strace $0x9FFFFFFF  }
0x3a: {  	(tm) =	ssettm $0x7FFFFFFF  }
0x3b: {  	_ =	shalt  }
tec
execute0_lowered:
.L_overlay_start_1:
0x0: {  	(tag) =	ssettag $0x1  }
0x1: {  	s0 =	srdreg.scid  }
0x2: {  	s1 =	sshll.u32 s0, $0x4  }
0x3: {  	s0 =	stileid.u32;
	s1 =	sand.u32 $0x10, s1  }
0x4: {  	s1 =	sor.u32 s0, s1  }
0x5: {  	s6 =	rddreg [dreg:$0x0];
	s4 =	simm.s32 $0x1;
	s2 =	sshll.u32 s1, $0x7  }
0x6: {  	s7 =	simm.s32 $0x2;
	s12 =	simm.s32 $0x0;
	s1 =	ssub.s32 $0x1000, s2  }
0x7: {  	s8 =	simm.s32 $0x8000;
	s13 =	simm.s32 $0x0;
	s3 =	sand.u32 $0xF80, s1  }
0x8: {  	s9 =	simm.s32 $0x0;
	s5 =	sshrl.u32 s1, $0xC;
	p0 =	sne.s32 s3, $0x0  }
.Ltmp0:
0x9: {  	s1 =	rddreg [dreg:$0x2];
	s4 =	simm.s32 @!p0 $0x0;
	(pc) =	sbr.rel .LBB1_1-.Ltmp0, $4  }
0xa: {  	s11 =	simm.s32 $0x0;
	s3 =	rddreg [dreg:$0x1];
	s5 =	sadd.s32 s4, s5  }
0xb: {  	_ =	strace $0x8000004A;
	s4 =	simm.s32 $0x1;
	s5 =	smul.u32 $0x32, s5  }
0xc: {  	s6 =	sadd.s32 $0x6CBE00, s6;
	s10 =	smov.u32 s2;
	[sflag:s4] =	ssyncpa.u1 $0x0  }
0xd: {  	p0 =	por $0x0, $0x0;
	[sflag:s7] =	ssyncpa.u1 $0x0;
	s7 =	sor.u32 $0x1, s5  }
.LBB1_4:
0xe: {  	s16 =	sshll.u32 s13, $0x3;
	s17 =	sand.u32 $0x78, s13  }
0xf: {  	s30 =	sand.u32 $0x7E00, s13;
	s12 =	sshll.u32 s12, $0xF;
	s16 =	sand.u32 $0xC00, s16  }
0x10: {  	[tilespmem:s15+$0x810 ss:$0x81] =	vst.msk $0xffff, v2;
	s31 =	sand.u32 $0x7, s13;
	s16 =	sor.u32 s17, s16;
	s17 =	sadd.s32 s3, s30  }
0x11: {  	[tilespmem:s15+$0x1020 ss:$0x81] =	vst.msk $0xffff, v0;
	s13 =	sshll.u32 s31, $0x12;
	s12 =	sadd.s32 s12, s17;
	s16 =	sshrl.u32 s16, $0x3  }
0x12: {  	[tilespmem:s15+$0x0 ss:$0x81] =	vst.msk $0xffff, v1;
	s13 =	sor.u32 $0x400, s13;
	s12 =	sadd.s32 s16, s12  }
0x13: {  	[hbm4b:s12+s13] =	stream.strided.scatter [tilespmem:s14], [sflag:$0x2], $0x2000, s8, s13, $0x20;
	[tilespmem:$0x8080] =	vst v63  }
.LBB1_5:
0x14: {  	s14 =	sadd.s32 $0x1, s9  }
0x15: {  	s12 =	sadd.s32 $0x1000, s10;
	s16 =	smov.u32 s10;
	p2 =	sgt.s32 s14, $0x31  }
0x16: {  	s16 =	smov.u32 @p2 s12  }
0x17: {  	s14 =	simm.s32 @p2 $0x0;
	p2 =	sgt.s32 s16, $0xFFF  }
0x18: {  	s16 =	smov.u32 @p2 s2;
	p2 =	sne.s32 s11, s7  }
.Ltmp1:
0x19: {  	p1 =	slt.u32 s11, $0x2;
	(pc) =	sbr.rel @!p2 .LBB1_6-.Ltmp1, $4  }
0x1a: {  	s15 =	simm.s32 @!p1 $0x2  }
0x1b: {  	s13 =	smov.u32 s10;
	p0 =	por !p0, !p0;
	_ =	swait.ge @!p1 [sflag:s15], $0x2000  }
0x1c: {  	s12 =	smov.u32 s9;
	[sflag:s15] =	ssyncset.done @!p1 $0x0;
	s9 =	smov.u32 s14  }
0x1d: {  	s11 =	sadd.s32 $0x1, s11;
	[sflag:s15] =	ssyncadd.s32 @!p1 $0xFFFFE000;
	s10 =	smov.u32 s16  }
.LBB1_1:
0x1e: {  	p1 =	sge.u32 s11, s5  }
0x1f: {  	s14 =	sand.u32 @!p1 $0x1FFFFFF, s9  }
0x20: {  	s15 =	smulhi.u32 @!p1 $0x4924925, s14;
	_ =	sdelay $0x1  }
0x21: {  	s15 =	smul.u32 @!p1 $0x38, s15  }
0x22: {  	s16 =	sxor.u32 @!p1 $0xFFFFFFFF, s11;
	s17 =	smul.u32 @!p1 $0x380, s10  }
0x23: {  	s31 =	sadd.s32 $0xFFFFFFFF, s11;
	s16 =	sshll.u32 @!p1 s16, $0xD;
	s14 =	ssub.s32 @!p1 s14, s15  }
0x24: {  	s15 =	sand.u32 @!p1 $0x2000, s16;
	s16 =	sadd.s32 @!p1 s6, s17;
	s14 =	sshll.u32 @!p1 s14, $0x4  }
0x25: {  	s17 =	simm.s32 @!p1 $0x1C00;
	s14 =	sadd.s32 @!p1 s14, s16;
	s16 =	simm.s32 @!p1 $0x40  }
0x26: {  	[tilespmem:s15], [sflag:$0x1] =	stream.strided.gather @!p1 [hbm4b:s14+s16], $0x2000, s17, s16, $0x38;
	[tilespmem:$0x8080] =	vst v63  }
0x27: {  	p1 =	sge.u32 s31, s5  }
.Ltmp2:
0x28: {  	_ = 	snop;
	(pc) =	sbr.rel @p1 .LBB1_5-.Ltmp2, $1  }
0x29: {  	_ =	sdelay $0x3  }
0x2a: {  	s14 =	simm.s32 $0x1  }
0x2b: {  	_ =	swait.ge [sflag:s4], $0x2000;
	s14 =	simm.s32 @!p0 $0x0  }
0x2c: {  	[sflag:s4] =	ssyncset.done $0x0;
	s15 =	sshll.u32 s14, $0xD  }
0x2d: {  	[sflag:s4] =	ssyncadd.s32 $0xFFFFE000;
	s18 =	sor.u32 $0x20, s15  }
0x2e: {  	s14 =	smul.u32 $0x8100, s14;
	v3 =	vld [tilespmem:s18+$0x10]  }
0x2f: {  	s30 =	sand.u32 $0x1, s11;
	v2 =	vld [tilespmem:s18+$0xFFFFFFF0]  }
0x30: {  	s15 =	smul.u32 $0x8100, s30;
	s14 =	sshrl.u32 s14, $0x2;
	v0 =	vld [tilespmem:s18+$0x0]  }
0x31: {  	v1 =	vld [tilespmem:s18+$0xFFFFFFE0];
	s16 =	sor.u32 $0x4000, s14  }
0x32: {  	s31 =	sshrl.u32 s15, $0x2;
	s15 =	sadd.s32 $0x0, s16  }
0x33: {  	s17 =	simm.s32 $0x4;
	s18 =	sadd.s32 $0x40, s18;
	s14 =	sor.u32 $0x4000, s31;
	[tilespmem:s15+$0x1830 ss:$0x81] =	vst.msk $0xffff, v3  }
.LBB1_3:
0x34: {  	v3 =	vld [tilespmem:s18+$0x10];
	p1 =	sne.s32 s17, $0x1FC;
	[tilespmem:s15+$0x810 ss:$0x81] =	vst.msk $0xffff, v2;
	s19 =	smov.u32 s17;
	s17 =	sadd.s32 $0x4, s17  }
.Ltmp3:
0x35: {  	v2 =	vld [tilespmem:s18+$0xFFFFFFF0];
	[tilespmem:s15+$0x1020 ss:$0x81] =	vst.msk $0xffff, v0;
	(pc) =	sbr.rel @p1 .LBB1_3-.Ltmp3, $4  }
0x36: {  	v0 =	vld [tilespmem:s18+$0x0];
	[tilespmem:s15+$0x0 ss:$0x81] =	vst.msk $0xffff, v1  }
0x37: {  	s15 =	sshra.s32 s19, $0x2;
	v1 =	vld [tilespmem:s18+$0xFFFFFFE0]  }
0x38: {  	s15 =	sadd.s32 s15, s16  }
0x39: {  	s18 =	sadd.s32 $0x40, s18;
	[tilespmem:s15+$0x1830 ss:$0x81] =	vst.msk $0xffff, v3  }
.Ltmp4:
0x3a: {  	_ = 	snop;
	(pc) =	sbr.rel .LBB1_4-.Ltmp4, $1  }
0x3b: {  	_ =	sdelay $0x3  }
.LBB1_6:
0x3c: {  	_ =	sfence.sel $0x180000  }
0x3d: {  	s2 =	simm.s32 $0x1;
	[bflag:$0x0] =	sbarrier.arrive $0xFFFF  }
0x3e: {  	s31 =	simm.s32 $0x2;
	[sflag:s2] =	ssyncpa.u1 $0x1  }
0x3f: {  	[sflag:s31] =	ssyncpa.u1 $0x1  }
0x40: {  	p0 =	sne.s32 s0, $0x0;
	_ =	strace $0x9000004A  }
0x41: {  	s0 =	sadd.s32 @!p0 $0x100000, s1;
	[bflag:$0x2] =	sbarrier.arrive $0xFFFF  }
0x42: {  	[sflag:s0] =	ssyncadd.tile.s32 @!p0 $0x1;
	_ =	shalt  }
.Lfunc_end1:
_tile_overlayer_lowered:
.L_overlay_start_2:
0x43: {  	(tag) =	ssettag $0x2  }
0x44: {  	s0 =	rddreg [dreg:$0x0];
	s2 =	stileid.u32  }
0x45: {  	s1 =	rddreg [dreg:$0x1];
	p0 =	sne.s32 s2, $0x0  }
0x46: {  	s3 =	rddreg [dreg:$0x2];
	[bflag:$0x3] =	sbarrier.arrive $0xFFFF;
	s2 =	simm.s32 @!p0 $0x1C01  }
0x47: {  	[timem:s3], [sflag:s2] =	dma.local @!p0 [hbm:s0], s1  }
0x48: {  	s0 =	simm.s32 @!p0 $0x1  }
0x49: {  	_ =	swait.ge @!p0 [sflag:s0], s1  }
0x4a: {  	s1 =	ssub.s32 @!p0 $0x0, s1;
	[sflag:s0] =	ssyncset.done @!p0 $0x0  }
0x4b: {  	[sflag:s0] =	ssyncadd.s32 @!p0 s1  }
0x4c: {  	[bflag:$0x3] =	sbarrier.arrive $0xFFFF  }
0x4d: {  	_ =	shalt  }

</sc_bundles>
